<compile_context>
chip_gen: v7x
topology: tpu7x:2x2x1
jax: 0.10.2.dev20260603
libtpu: 0.0.44.dev20260713+nightly
codegen_flags: <defaults>
</compile_context>

<pallas_src>
import functools

import jax
import jax.numpy as jnp
from jax import lax
from jax.experimental import pallas as pl
from jax.experimental.pallas import tpu as pltpu
from jax.experimental.pallas import tpu_sc as plsc

M_TILE = 512
N_BLK = 2048
N_TOTAL = 8192
DIM = 32
RESCUE = 128
PER_TILE = 8
SCREEN_CHUNK = 128


def _exact_distances(z, ct):
    sq = []
    for k in range(DIM):
        diff = z[:, k : k + 1] - ct[k : k + 1, :]
        sq.append(diff * diff)
    x = []
    for s in range(8):
        acc = sq[s]
        acc = acc + sq[s + 8]
        acc = acc + sq[s + 16]
        acc = acc + sq[s + 24]
        x.append(acc)
    return ((x[0] + x[4]) + (x[2] + x[6])) + ((x[1] + x[5]) + (x[3] + x[7]))


def _dot_x3(a, b):
    a_hi = a.astype(jnp.bfloat16)
    a_lo = (a - a_hi.astype(jnp.float32)).astype(jnp.bfloat16)
    b_hi = b.astype(jnp.bfloat16)
    b_lo = (b - b_hi.astype(jnp.float32)).astype(jnp.bfloat16)

    def d(x, y):
        return jax.lax.dot_general(
            x,
            y,
            dimension_numbers=(((1,), (0,)), ((), ())),
            preferred_element_type=jnp.float32,
        )

    return d(a_hi, b_hi) + (d(a_hi, b_lo) + d(a_lo, b_hi))


def _split3(x):
    h = x.astype(jnp.bfloat16)
    r = x - h.astype(jnp.float32)
    m = r.astype(jnp.bfloat16)
    l = (r - m.astype(jnp.float32)).astype(jnp.bfloat16)
    return h, m, l


def _screen_kernel(z_ref, ct_ref, gidx_ref, rows_ref):
    i = pl.program_id(0)
    ct = ct_ref[...]
    cc = jnp.sum(ct * ct, axis=0, keepdims=True)
    zneg = z_ref[...] * jnp.float32(-2.0)
    lhs = jnp.concatenate([zneg, jnp.ones((M_TILE, 1), jnp.float32)], axis=1)
    rhs = jnp.concatenate([ct, cc], axis=0)
    l_hi = lhs.astype(jnp.bfloat16)
    l_lo = (lhs - l_hi.astype(jnp.float32)).astype(jnp.bfloat16)
    r_hi = rhs.astype(jnp.bfloat16)
    r_lo = (rhs - r_hi.astype(jnp.float32)).astype(jnp.bfloat16)

    def d(x, y):
        return jax.lax.dot_general(
            x,
            y,
            dimension_numbers=(((1,), (0,)), ((), ())),
            preferred_element_type=jnp.float32,
        )

    w = SCREEN_CHUNK
    dot_w = 512
    inf = jnp.full((M_TILE, w), jnp.inf, jnp.float32)
    m1, m2 = inf, inf
    chunk = jnp.zeros((M_TILE, w), jnp.int32)
    for cd in range(N_TOTAL // dot_w):
        sl = slice(cd * dot_w, (cd + 1) * dot_w)
        s_cd = d(l_hi, r_hi[:, sl]) + (
            d(l_hi, r_lo[:, sl]) + d(l_lo, r_hi[:, sl])
        )
        for sub in range(dot_w // w):
            c = cd * (dot_w // w) + sub
            s_c = s_cd[:, sub * w : (sub + 1) * w]
            gt = s_c < m1
            m2 = jnp.minimum(m2, jnp.maximum(m1, s_c))
            m1 = jnp.minimum(m1, s_c)
            chunk = jnp.where(gt, jnp.int32(c), chunk)
    m1g = jnp.min(m1, axis=1, keepdims=True)
    eq = m1 == m1g
    m2g = jnp.min(jnp.where(eq, m2, m1), axis=1, keepdims=True)
    nmin = jnp.sum(eq.astype(jnp.float32), axis=1, keepdims=True)
    m2g = jnp.where(nmin > 1.0, m1g, m2g)
    big = jnp.int32(1 << 30)
    lane = jax.lax.broadcasted_iota(jnp.int32, (M_TILE, w), 1)
    lwin = jnp.min(jnp.where(eq, lane, big), axis=1, keepdims=True)
    cwin = jnp.min(jnp.where(eq, chunk, big), axis=1, keepdims=True)
    gidx_ref[...] = cwin * jnp.int32(w) + lwin
    margin = m2g - m1g
    riota = jax.lax.broadcasted_iota(jnp.int32, (M_TILE, 1), 0)
    for k in range(PER_TILE):
        mn = jnp.min(margin, axis=0, keepdims=True)
        eqm = margin == mn
        rid = jnp.min(jnp.where(eqm, riota, big), axis=0, keepdims=True)
        rows_ref[k : k + 1, :] = rid + i * jnp.int32(M_TILE)
        margin = jnp.where(riota == rid, jnp.float32(jnp.inf), margin)


def _rescue_kernel(z_ref, ct_ref, gidx_ref, rows_ref, tok_ref, zr_ref, m_ref, ridx_ref):
    j = pl.program_id(1)
    n_all = z_ref.shape[0]

    @pl.when(j == 0)
    def _gather_rows():
        rows = rows_ref[...]
        coliota = jax.lax.broadcasted_iota(jnp.int32, (RESCUE, n_all), 1)
        onehot = (coliota == rows).astype(jnp.bfloat16)
        zh, zm, zl = _split3(z_ref[...])

        def d(x, y):
            return jax.lax.dot_general(
                x,
                y,
                dimension_numbers=(((1,), (0,)), ((), ())),
                preferred_element_type=jnp.float32,
            )

        zr_ref[...] = d(onehot, zh) + (d(onehot, zm) + d(onehot, zl))

    dist = _exact_distances(zr_ref[...], ct_ref[...])
    bmin = jnp.min(dist, axis=1, keepdims=True)
    iota = jax.lax.broadcasted_iota(jnp.int32, dist.shape, 1) + j * N_BLK
    big = jnp.int32(1 << 30)
    bidx = jnp.min(jnp.where(dist == bmin, iota, big), axis=1, keepdims=True)

    @pl.when(j == 0)
    def _init():
        m_ref[...] = bmin
        ridx_ref[...] = bidx

    @pl.when(j > 0)
    def _update():
        better = bmin < m_ref[...]
        m_ref[...] = jnp.where(better, bmin, m_ref[...])
        ridx_ref[...] = jnp.where(better, bidx, ridx_ref[...])

    @pl.when(j == (N_TOTAL // N_BLK) - 1)
    def _scatter():
        rows_t = jnp.reshape(rows_ref[...], (1, RESCUE))
        ridx_t = jnp.reshape(ridx_ref[...], (1, RESCUE))
        riota = jax.lax.broadcasted_iota(jnp.int32, (n_all, RESCUE), 0)
        hit = riota == rows_t
        scat = jnp.max(
            jnp.where(hit, ridx_t, jnp.int32(-1)), axis=1, keepdims=True
        )
        tok_ref[...] = jnp.where(scat >= 0, scat, gidx_ref[...])


def _sc_gather(codebook, tokens):
    info = plsc.get_sparse_core_info()
    n_workers = info.num_cores * info.num_subcores
    b = tokens.shape[0]
    b_per_w = b // n_workers
    pad = 128
    table = jnp.pad(codebook, ((0, 0), (0, pad - DIM)))
    mesh = plsc.VectorSubcoreMesh(core_axis_name="c", subcore_axis_name="s")

    @functools.partial(
        pl.kernel,
        mesh=mesh,
        out_type=jax.ShapeDtypeStruct((b, pad), jnp.float32),
        scratch_types=[
            pltpu.VMEM((b_per_w,), jnp.int32),
            pltpu.VMEM((b_per_w, pad), jnp.float32),
            pltpu.SemaphoreType.DMA,
        ],
    )
    def gather_k(table_hbm, idx_hbm, out_hbm, idx_v, rows_v, sem):
        wid = lax.axis_index("s") * info.num_cores + lax.axis_index("c")
        base = wid * b_per_w
        pltpu.sync_copy(idx_hbm.at[pl.ds(base, b_per_w)], idx_v)
        pltpu.async_copy(table_hbm.at[idx_v], rows_v, sem).wait()
        pltpu.sync_copy(rows_v, out_hbm.at[pl.ds(base, b_per_w)])

    return gather_k(table, tokens)[:, :DIM]


def kernel(inputs, codebook):
    z = inputs.reshape(-1, DIM)
    n_rows = z.shape[0]
    ct = codebook.T
    gidx, rows = pl.pallas_call(
        _screen_kernel,
        grid=(n_rows // M_TILE,),
        in_specs=[
            pl.BlockSpec((M_TILE, DIM), lambda i: (i, 0)),
            pl.BlockSpec((DIM, N_TOTAL), lambda i: (0, 0)),
        ],
        out_specs=[
            pl.BlockSpec((M_TILE, 1), lambda i: (i, 0)),
            pl.BlockSpec((PER_TILE, 1), lambda i: (i, 0)),
        ],
        out_shape=[
            jax.ShapeDtypeStruct((n_rows, 1), jnp.int32),
            jax.ShapeDtypeStruct((n_rows // M_TILE * PER_TILE, 1), jnp.int32),
        ],
    )(z, ct)
    tokens = pl.pallas_call(
        _rescue_kernel,
        grid=(1, N_TOTAL // N_BLK),
        in_specs=[
            pl.BlockSpec((n_rows, DIM), lambda i, j: (0, 0)),
            pl.BlockSpec((DIM, N_BLK), lambda i, j: (0, j)),
            pl.BlockSpec((n_rows, 1), lambda i, j: (0, 0)),
            pl.BlockSpec((RESCUE, 1), lambda i, j: (0, 0)),
        ],
        out_specs=pl.BlockSpec((n_rows, 1), lambda i, j: (0, 0)),
        out_shape=jax.ShapeDtypeStruct((n_rows, 1), jnp.int32),
        scratch_shapes=[
            pltpu.VMEM((RESCUE, DIM), jnp.float32),
            pltpu.VMEM((RESCUE, 1), jnp.float32),
            pltpu.VMEM((RESCUE, 1), jnp.int32),
        ],
    )(z, ct, gidx, rows)
    emb = _sc_gather(codebook, tokens[:, 0])
    return emb.reshape(inputs.shape)

# --- scband reference (transcript-rebuilt; emitter-appended) ---
"""Pipeline reference for scband-vector-quantizer-17660905521540 (READ-ONLY COPY).

The authoritative reference and input builder live on the scoring server;
editing this copy changes nothing except your own understanding.
"""

import jax, jax.numpy as jnp
import numpy as np

CODEBOOK_SIZE = 8192
EMBEDDING_DIM = 32
EMB_W = 1.0
COMMIT_W = 0.25
ENT_W = 0.1


def setup_inputs(seed: int = 0) -> dict:
    key = jax.random.key(seed)
    k1, k2 = jax.random.split(key)
    inputs = jax.random.normal(k1, (4, 32, 32, EMBEDDING_DIM), dtype=jnp.float32)
    # tf.keras.initializers.RandomUniform default is U(-0.05, 0.05)
    codebook = jax.random.uniform(k2, (CODEBOOK_SIZE, EMBEDDING_DIM), dtype=jnp.float32, minval=-0.05, maxval=0.05)
    return {"inputs": inputs, "codebook": codebook}


def reference(inputs, codebook):
    # distances: [B, H, W, K]
    distances = jnp.sum(jnp.square(inputs[:, :, :, None, :] - codebook), axis=-1)
    tokens = jnp.argmin(distances, axis=-1).astype(jnp.int32)
    embeddings = jnp.take(codebook, tokens, axis=0)
    # auxiliary losses (added via add_loss in the original; computed here for fidelity)
    embedding_loss = EMB_W * jnp.mean((jax.lax.stop_gradient(embeddings) - inputs) ** 2)
    commitment_loss = COMMIT_W * jnp.mean((embeddings - jax.lax.stop_gradient(inputs)) ** 2)
    flat_distances = jnp.reshape(distances, (-1, CODEBOOK_SIZE))
    closest_classes = jnp.argmin(flat_distances, axis=1).astype(jnp.int32)
    active_classes = jnp.zeros((CODEBOOK_SIZE,), dtype=jnp.int32).at[closest_classes].add(jnp.ones_like(closest_classes))
    entropy_loss = ENT_W * jnp.mean(jnp.where(active_classes == 0, jnp.min(flat_distances, axis=0), 0.0), axis=0)
    total_aux_loss = embedding_loss + commitment_loss + entropy_loss  # side-effect in original (add_loss)
    del total_aux_loss
    # call() returns embeddings (training=None -> no straight-through)
    return embeddings

if __name__ == "__main__":
    import jax
    _d = setup_inputs()
    print(jax.jit(kernel)(*tuple(_d.values())))

</pallas_src>

<mosaic_0001>
#map = affine_map<(d0, d1) -> (0, 0)>
#map1 = affine_map<(d0, d1) -> (0)>
module attributes {stable_mosaic.version = 14 : i64} {
  func.func @gather_k(%arg0: i32, %arg1: i32, %arg2: memref<8192x128xf32, #tpu.memory_space<hbm>>, %arg3: memref<4096xi32, #tpu.memory_space<hbm>>, %arg4: memref<4096x128xf32, #tpu.memory_space<hbm>>, %arg5: memref<128xi32, #tpu.memory_space<vmem>>, %arg6: memref<128x128xf32, #tpu.memory_space<vmem>>, %arg7: memref<!tpu.dma_semaphore, #tpu.memory_space<semaphore_mem>>) attributes {dimension_semantics = [#tpu.dimension_semantics<core_parallel>, #tpu.dimension_semantics<subcore_parallel>], iteration_bounds = array<i64: 2, 16>, scalar_prefetch = 0 : i64, scratch_operands = 3 : i64, tpu.core_type = #tpu.core_type<sc_vector_subcore>, window_params = [{transform_indices = #map}, {transform_indices = #map1}, {transform_indices = #map}]} {
    %mul3A = arith.constant 2 : i32
    %mul3A_0 = arith.muli %arg1, %mul3A : i32
    %add3A = arith.addi %mul3A_0, %arg0 : i32
    %mul3A_1 = arith.constant 128 : i32
    %mul3A_2 = arith.muli %add3A, %mul3A_1 : i32
    "tpu.region"() ({
      %run_scoped3A = tpu.sem_alloc : memref<!tpu.dma_semaphore, #tpu.memory_space<semaphore_mem>>
      %dma_start3A_7 = tpu.memref_slice %arg3[%mul3A_2] : memref<4096xi32, #tpu.memory_space<hbm>> -> memref<128xi32, #tpu.memory_space<hbm>>
      %dma_start3A_8 = tpu.memref_slice %arg3[%mul3A_2] : memref<4096xi32, #tpu.memory_space<hbm>> -> memref<128xi32, #tpu.memory_space<hbm>>
      tpu.enqueue_dma source(%dma_start3A_8 : memref<128xi32, #tpu.memory_space<hbm>>) target(%arg5 : memref<128xi32, #tpu.memory_space<vmem>>) target_semaphore(%run_scoped3A : memref<!tpu.dma_semaphore, #tpu.memory_space<semaphore_mem>>)
      %dma_wait3A_9 = tpu.memref_slice %arg3[%mul3A_2] : memref<4096xi32, #tpu.memory_space<hbm>> -> memref<128xi32, #tpu.memory_space<hbm>>
      %dma_wait3A_10 = tpu.memref_slice %arg3[%mul3A_2] : memref<4096xi32, #tpu.memory_space<hbm>> -> memref<128xi32, #tpu.memory_space<hbm>>
      tpu.wait_dma2 semaphore(%run_scoped3A : memref<!tpu.dma_semaphore, #tpu.memory_space<semaphore_mem>>) src(%dma_wait3A_10 : memref<128xi32, #tpu.memory_space<hbm>>) dst(%arg5 : memref<128xi32, #tpu.memory_space<vmem>>)
      tpu.yield
    }) : () -> ()
    %dma_start3A = arith.constant 0 : i32
    %dma_start3A_3 = arith.constant 0 : i32
    %dma_start3A_4 = tpu.memref_slice %arg2[%dma_start3A, %dma_start3A_3] : memref<8192x128xf32, #tpu.memory_space<hbm>> -> memref<8192x128xf32, #tpu.memory_space<hbm>>
    tpu.enqueue_indirect_dma source(%dma_start3A_4 : memref<8192x128xf32, #tpu.memory_space<hbm>>) target(%arg6 : memref<128x128xf32, #tpu.memory_space<vmem>>) offsets(%arg5 : memref<128xi32, #tpu.memory_space<vmem>>) semaphore(%arg7 : memref<!tpu.dma_semaphore, #tpu.memory_space<semaphore_mem>>)
    %dma_wait3A = arith.constant 0 : i32
    %dma_wait3A_5 = arith.constant 0 : i32
    %dma_wait3A_6 = tpu.memref_slice %arg2[%dma_wait3A, %dma_wait3A_5] : memref<8192x128xf32, #tpu.memory_space<hbm>> -> memref<8192x128xf32, #tpu.memory_space<hbm>>
    tpu.wait_indirect_dma semaphore(%arg7 : memref<!tpu.dma_semaphore, #tpu.memory_space<semaphore_mem>>) src(%dma_wait3A_6 : memref<8192x128xf32, #tpu.memory_space<hbm>>) dst(%arg6 : memref<128x128xf32, #tpu.memory_space<vmem>>)
    "tpu.region"() ({
      %run_scoped3A = tpu.sem_alloc : memref<!tpu.dma_semaphore, #tpu.memory_space<semaphore_mem>>
      %dma_start3A_7 = arith.constant 0 : i32
      %dma_start3A_8 = tpu.memref_slice %arg4[%mul3A_2, %dma_start3A_7] : memref<4096x128xf32, #tpu.memory_space<hbm>> -> memref<128x128xf32, #tpu.memory_space<hbm>>
      %dma_start3A_9 = arith.constant 0 : i32
      %dma_start3A_10 = tpu.memref_slice %arg4[%mul3A_2, %dma_start3A_9] : memref<4096x128xf32, #tpu.memory_space<hbm>> -> memref<128x128xf32, #tpu.memory_space<hbm>>
      tpu.enqueue_dma source(%arg6 : memref<128x128xf32, #tpu.memory_space<vmem>>) target(%dma_start3A_10 : memref<128x128xf32, #tpu.memory_space<hbm>>) target_semaphore(%run_scoped3A : memref<!tpu.dma_semaphore, #tpu.memory_space<semaphore_mem>>)
      %dma_wait3A_11 = arith.constant 0 : i32
      %dma_wait3A_12 = tpu.memref_slice %arg4[%mul3A_2, %dma_wait3A_11] : memref<4096x128xf32, #tpu.memory_space<hbm>> -> memref<128x128xf32, #tpu.memory_space<hbm>>
      %dma_wait3A_13 = arith.constant 0 : i32
      %dma_wait3A_14 = tpu.memref_slice %arg4[%mul3A_2, %dma_wait3A_13] : memref<4096x128xf32, #tpu.memory_space<hbm>> -> memref<128x128xf32, #tpu.memory_space<hbm>>
      tpu.wait_dma2 semaphore(%run_scoped3A : memref<!tpu.dma_semaphore, #tpu.memory_space<semaphore_mem>>) src(%arg6 : memref<128x128xf32, #tpu.memory_space<vmem>>) dst(%dma_wait3A_14 : memref<128x128xf32, #tpu.memory_space<hbm>>)
      tpu.yield
    }) : () -> ()
    return
  }
}

module attributes {stable_mosaic.version = 14 : i64} {
  func.func @_screen_kernel(%arg0: i32, %arg1: memref<512x32xf32, #tpu.memory_space<vmem>>, %arg2: memref<32x8192xf32, #tpu.memory_space<vmem>>, %arg3: memref<512x1xi32, #tpu.memory_space<vmem>>, %arg4: memref<8x1xi32, #tpu.memory_space<vmem>>) attributes {dimension_semantics = [#tpu.dimension_semantics<arbitrary>], iteration_bounds = array<i64: 8>, scalar_prefetch = 0 : i64, scratch_operands = 0 : i64, tpu.core_type = #tpu.core_type<tc>, window_params = [{transform_indices = @transform_0, window_bounds = array<i64: 512, 32>}, {pipeline_mode = #tpu.pipeline_mode<synchronous>, transform_indices = @transform_1, window_bounds = array<i64: 32, 8192>}, {transform_indices = @transform_2, window_bounds = array<i64: 512, 1>}, {transform_indices = @transform_3, window_bounds = array<i64: 8, 1>}]} {
    %get3A = arith.constant 0 : index
    %get3A_0 = arith.constant 0 : index
    %get3A_1 = vector.load %arg2[%get3A, %get3A_0] : memref<32x8192xf32, #tpu.memory_space<vmem>>, vector<32x8192xf32>
    %mul3A = arith.mulf %get3A_1, %get3A_1 : vector<32x8192xf32>
    %reduce_sum3A = arith.constant dense<0.000000e+00> : vector<8192xf32>
    %reduce_sum3A_2 = vector.multi_reduction <add>, %mul3A, %reduce_sum3A [0] : vector<32x8192xf32> to vector<8192xf32>
    %broadcast_in_dim3A = vector.shape_cast %reduce_sum3A_2 : vector<8192xf32> to vector<1x8192xf32>
    %get3A_3 = arith.constant 0 : index
    %get3A_4 = arith.constant 0 : index
    %get3A_5 = vector.load %arg1[%get3A_3, %get3A_4] : memref<512x32xf32, #tpu.memory_space<vmem>>, vector<512x32xf32>
    %mul3A_6 = arith.constant -2.000000e+00 : f32
    %mul3A_7 = vector.broadcast %mul3A_6 : f32 to vector<512x32xf32>
    %mul3A_8 = arith.mulf %get3A_5, %mul3A_7 : vector<512x32xf32>
    %broadcast_in_dim3A_9 = arith.constant 1.000000e+00 : f32
    %broadcast_in_dim3A_10 = vector.broadcast %broadcast_in_dim3A_9 : f32 to vector<512x1xf32>
    %concatenate3A = tpu.concatenate %mul3A_8, %broadcast_in_dim3A_10 in 1 : vector<512x32xf32>, vector<512x1xf32> -> vector<512x33xf32>
    %concatenate3A_11 = tpu.concatenate %get3A_1, %broadcast_in_dim3A in 0 : vector<32x8192xf32>, vector<1x8192xf32> -> vector<33x8192xf32>
    %convert_element_type3A = arith.truncf %concatenate3A : vector<512x33xf32> to vector<512x33xbf16>
    %convert_element_type3A_12 = arith.extf %convert_element_type3A : vector<512x33xbf16> to vector<512x33xf32>
    %sub3A = arith.subf %concatenate3A, %convert_element_type3A_12 : vector<512x33xf32>
    %convert_element_type3A_13 = arith.truncf %sub3A : vector<512x33xf32> to vector<512x33xbf16>
    %convert_element_type3A_14 = arith.truncf %concatenate3A_11 : vector<33x8192xf32> to vector<33x8192xbf16>
    %convert_element_type3A_15 = arith.extf %convert_element_type3A_14 : vector<33x8192xbf16> to vector<33x8192xf32>
    %sub3A_16 = arith.subf %concatenate3A_11, %convert_element_type3A_15 : vector<33x8192xf32>
    %convert_element_type3A_17 = arith.truncf %sub3A_16 : vector<33x8192xf32> to vector<33x8192xbf16>
    %broadcast_in_dim3A_18 = arith.constant 0x7F800000 : f32
    %broadcast_in_dim3A_19 = vector.broadcast %broadcast_in_dim3A_18 : f32 to vector<512x128xf32>
    %broadcast_in_dim3A_20 = arith.constant 0 : i32
    %broadcast_in_dim3A_21 = vector.broadcast %broadcast_in_dim3A_20 : i32 to vector<512x128xi32>
    %slice3A = vector.extract_strided_slice %convert_element_type3A_14 {offsets = [0, 0], sizes = [33, 512], strides = [1, 1]} : vector<33x8192xbf16> to vector<33x512xbf16>
    %dot_general3A = arith.constant dense<0.000000e+00> : vector<512x512xf32>
    %dot_general3A_22 = tpu.matmul %convert_element_type3A, %slice3A, %dot_general3A {dimension_numbers = #tpu.dot_dimension_numbers<[1], [0], [0], [1], [0, 0, 1, 1], [], []>, transpose_lhs_hint = false} : vector<512x33xbf16>, vector<33x512xbf16>, vector<512x512xf32> -> vector<512x512xf32>
    %slice3A_23 = vector.extract_strided_slice %convert_element_type3A_17 {offsets = [0, 0], sizes = [33, 512], strides = [1, 1]} : vector<33x8192xbf16> to vector<33x512xbf16>
    %dot_general3A_24 = arith.constant dense<0.000000e+00> : vector<512x512xf32>
    %dot_general3A_25 = tpu.matmul %convert_element_type3A, %slice3A_23, %dot_general3A_24 {dimension_numbers = #tpu.dot_dimension_numbers<[1], [0], [0], [1], [0, 0, 1, 1], [], []>, transpose_lhs_hint = false} : vector<512x33xbf16>, vector<33x512xbf16>, vector<512x512xf32> -> vector<512x512xf32>
    %slice3A_26 = vector.extract_strided_slice %convert_element_type3A_14 {offsets = [0, 0], sizes = [33, 512], strides = [1, 1]} : vector<33x8192xbf16> to vector<33x512xbf16>
    %dot_general3A_27 = arith.constant dense<0.000000e+00> : vector<512x512xf32>
    %dot_general3A_28 = tpu.matmul %convert_element_type3A_13, %slice3A_26, %dot_general3A_27 {dimension_numbers = #tpu.dot_dimension_numbers<[1], [0], [0], [1], [0, 0, 1, 1], [], []>, transpose_lhs_hint = false} : vector<512x33xbf16>, vector<33x512xbf16>, vector<512x512xf32> -> vector<512x512xf32>
    %add3A = arith.addf %dot_general3A_25, %dot_general3A_28 : vector<512x512xf32>
    %add3A_29 = arith.addf %dot_general3A_22, %add3A : vector<512x512xf32>
    %slice3A_30 = vector.extract_strided_slice %add3A_29 {offsets = [0, 0], sizes = [512, 128], strides = [1, 1]} : vector<512x512xf32> to vector<512x128xf32>
    %lt3A = arith.cmpf olt, %slice3A_30, %broadcast_in_dim3A_19 : vector<512x128xf32>
    %max3A = arith.maximumf %broadcast_in_dim3A_19, %slice3A_30 : vector<512x128xf32>
    %min3A = arith.minimumf %broadcast_in_dim3A_19, %max3A : vector<512x128xf32>
    %min3A_31 = arith.minimumf %broadcast_in_dim3A_19, %slice3A_30 : vector<512x128xf32>
    %jit3A = arith.constant 0 : i32
    %broadcast_in_dim3A_32 = vector.broadcast %jit3A : i32 to vector<512x128xi32>
    %select_n3A = arith.select %lt3A, %broadcast_in_dim3A_32, %broadcast_in_dim3A_21 : vector<512x128xi1>, vector<512x128xi32>
    %slice3A_33 = vector.extract_strided_slice %add3A_29 {offsets = [0, 128], sizes = [512, 128], strides = [1, 1]} : vector<512x512xf32> to vector<512x128xf32>
    %lt3A_34 = arith.cmpf olt, %slice3A_33, %min3A_31 : vector<512x128xf32>
    %max3A_35 = arith.maximumf %min3A_31, %slice3A_33 : vector<512x128xf32>
    %min3A_36 = arith.minimumf %min3A, %max3A_35 : vector<512x128xf32>
    %min3A_37 = arith.minimumf %min3A_31, %slice3A_33 : vector<512x128xf32>
    %jit3A_38 = arith.constant 1 : i32
    %broadcast_in_dim3A_39 = vector.broadcast %jit3A_38 : i32 to vector<512x128xi32>
    %select_n3A_40 = arith.select %lt3A_34, %broadcast_in_dim3A_39, %select_n3A : vector<512x128xi1>, vector<512x128xi32>
    %slice3A_41 = vector.extract_strided_slice %add3A_29 {offsets = [0, 256], sizes = [512, 128], strides = [1, 1]} : vector<512x512xf32> to vector<512x128xf32>
    %lt3A_42 = arith.cmpf olt, %slice3A_41, %min3A_37 : vector<512x128xf32>
    %max3A_43 = arith.maximumf %min3A_37, %slice3A_41 : vector<512x128xf32>
    %min3A_44 = arith.minimumf %min3A_36, %max3A_43 : vector<512x128xf32>
    %min3A_45 = arith.minimumf %min3A_37, %slice3A_41 : vector<512x128xf32>
    %jit3A_46 = arith.constant 2 : i32
    %broadcast_in_dim3A_47 = vector.broadcast %jit3A_46 : i32 to vector<512x128xi32>
    %select_n3A_48 = arith.select %lt3A_42, %broadcast_in_dim3A_47, %select_n3A_40 : vector<512x128xi1>, vector<512x128xi32>
    %slice3A_49 = vector.extract_strided_slice %add3A_29 {offsets = [0, 384], sizes = [512, 128], strides = [1, 1]} : vector<512x512xf32> to vector<512x128xf32>
    %lt3A_50 = arith.cmpf olt, %slice3A_49, %min3A_45 : vector<512x128xf32>
    %max3A_51 = arith.maximumf %min3A_45, %slice3A_49 : vector<512x128xf32>
    %min3A_52 = arith.minimumf %min3A_44, %max3A_51 : vector<512x128xf32>
    %min3A_53 = arith.minimumf %min3A_45, %slice3A_49 : vector<512x128xf32>
    %jit3A_54 = arith.constant 3 : i32
    %broadcast_in_dim3A_55 = vector.broadcast %jit3A_54 : i32 to vector<512x128xi32>
    %select_n3A_56 = arith.select %lt3A_50, %broadcast_in_dim3A_55, %select_n3A_48 : vector<512x128xi1>, vector<512x128xi32>
    %slice3A_57 = vector.extract_strided_slice %convert_element_type3A_14 {offsets = [0, 512], sizes = [33, 512], strides = [1, 1]} : vector<33x8192xbf16> to vector<33x512xbf16>
    %dot_general3A_58 = arith.constant dense<0.000000e+00> : vector<512x512xf32>
    %dot_general3A_59 = tpu.matmul %convert_element_type3A, %slice3A_57, %dot_general3A_58 {dimension_numbers = #tpu.dot_dimension_numbers<[1], [0], [0], [1], [0, 0, 1, 1], [], []>, transpose_lhs_hint = false} : vector<512x33xbf16>, vector<33x512xbf16>, vector<512x512xf32> -> vector<512x512xf32>
    %slice3A_60 = vector.extract_strided_slice %convert_element_type3A_17 {offsets = [0, 512], sizes = [33, 512], strides = [1, 1]} : vector<33x8192xbf16> to vector<33x512xbf16>
    %dot_general3A_61 = arith.constant dense<0.000000e+00> : vector<512x512xf32>
    %dot_general3A_62 = tpu.matmul %convert_element_type3A, %slice3A_60, %dot_general3A_61 {dimension_numbers = #tpu.dot_dimension_numbers<[1], [0], [0], [1], [0, 0, 1, 1], [], []>, transpose_lhs_hint = false} : vector<512x33xbf16>, vector<33x512xbf16>, vector<512x512xf32> -> vector<512x512xf32>
    %slice3A_63 = vector.extract_strided_slice %convert_element_type3A_14 {offsets = [0, 512], sizes = [33, 512], strides = [1, 1]} : vector<33x8192xbf16> to vector<33x512xbf16>
    %dot_general3A_64 = arith.constant dense<0.000000e+00> : vector<512x512xf32>
    %dot_general3A_65 = tpu.matmul %convert_element_type3A_13, %slice3A_63, %dot_general3A_64 {dimension_numbers = #tpu.dot_dimension_numbers<[1], [0], [0], [1], [0, 0, 1, 1], [], []>, transpose_lhs_hint = false} : vector<512x33xbf16>, vector<33x512xbf16>, vector<512x512xf32> -> vector<512x512xf32>
    %add3A_66 = arith.addf %dot_general3A_62, %dot_general3A_65 : vector<512x512xf32>
    %add3A_67 = arith.addf %dot_general3A_59, %add3A_66 : vector<512x512xf32>
    %slice3A_68 = vector.extract_strided_slice %add3A_67 {offsets = [0, 0], sizes = [512, 128], strides = [1, 1]} : vector<512x512xf32> to vector<512x128xf32>
    %lt3A_69 = arith.cmpf olt, %slice3A_68, %min3A_53 : vector<512x128xf32>
    %max3A_70 = arith.maximumf %min3A_53, %slice3A_68 : vector<512x128xf32>
    %min3A_71 = arith.minimumf %min3A_52, %max3A_70 : vector<512x128xf32>
    %min3A_72 = arith.minimumf %min3A_53, %slice3A_68 : vector<512x128xf32>
    %jit3A_73 = arith.constant 4 : i32
    %broadcast_in_dim3A_74 = vector.broadcast %jit3A_73 : i32 to vector<512x128xi32>
    %select_n3A_75 = arith.select %lt3A_69, %broadcast_in_dim3A_74, %select_n3A_56 : vector<512x128xi1>, vector<512x128xi32>
    %slice3A_76 = vector.extract_strided_slice %add3A_67 {offsets = [0, 128], sizes = [512, 128], strides = [1, 1]} : vector<512x512xf32> to vector<512x128xf32>
    %lt3A_77 = arith.cmpf olt, %slice3A_76, %min3A_72 : vector<512x128xf32>
    %max3A_78 = arith.maximumf %min3A_72, %slice3A_76 : vector<512x128xf32>
    %min3A_79 = arith.minimumf %min3A_71, %max3A_78 : vector<512x128xf32>
    %min3A_80 = arith.minimumf %min3A_72, %slice3A_76 : vector<512x128xf32>
    %jit3A_81 = arith.constant 5 : i32
    %broadcast_in_dim3A_82 = vector.broadcast %jit3A_81 : i32 to vector<512x128xi32>
    %select_n3A_83 = arith.select %lt3A_77, %broadcast_in_dim3A_82, %select_n3A_75 : vector<512x128xi1>, vector<512x128xi32>
    %slice3A_84 = vector.extract_strided_slice %add3A_67 {offsets = [0, 256], sizes = [512, 128], strides = [1, 1]} : vector<512x512xf32> to vector<512x128xf32>
    %lt3A_85 = arith.cmpf olt, %slice3A_84, %min3A_80 : vector<512x128xf32>
    %max3A_86 = arith.maximumf %min3A_80, %slice3A_84 : vector<512x128xf32>
    %min3A_87 = arith.minimumf %min3A_79, %max3A_86 : vector<512x128xf32>
    %min3A_88 = arith.minimumf %min3A_80, %slice3A_84 : vector<512x128xf32>
    %jit3A_89 = arith.constant 6 : i32
    %broadcast_in_dim3A_90 = vector.broadcast %jit3A_89 : i32 to vector<512x128xi32>
    %select_n3A_91 = arith.select %lt3A_85, %broadcast_in_dim3A_90, %select_n3A_83 : vector<512x128xi1>, vector<512x128xi32>
    %slice3A_92 = vector.extract_strided_slice %add3A_67 {offsets = [0, 384], sizes = [512, 128], strides = [1, 1]} : vector<512x512xf32> to vector<512x128xf32>
    %lt3A_93 = arith.cmpf olt, %slice3A_92, %min3A_88 : vector<512x128xf32>
    %max3A_94 = arith.maximumf %min3A_88, %slice3A_92 : vector<512x128xf32>
    %min3A_95 = arith.minimumf %min3A_87, %max3A_94 : vector<512x128xf32>
    %min3A_96 = arith.minimumf %min3A_88, %slice3A_92 : vector<512x128xf32>
    %jit3A_97 = arith.constant 7 : i32
    %broadcast_in_dim3A_98 = vector.broadcast %jit3A_97 : i32 to vector<512x128xi32>
    %select_n3A_99 = arith.select %lt3A_93, %broadcast_in_dim3A_98, %select_n3A_91 : vector<512x128xi1>, vector<512x128xi32>
    %slice3A_100 = vector.extract_strided_slice %convert_element_type3A_14 {offsets = [0, 1024], sizes = [33, 512], strides = [1, 1]} : vector<33x8192xbf16> to vector<33x512xbf16>
    %dot_general3A_101 = arith.constant dense<0.000000e+00> : vector<512x512xf32>
    %dot_general3A_102 = tpu.matmul %convert_element_type3A, %slice3A_100, %dot_general3A_101 {dimension_numbers = #tpu.dot_dimension_numbers<[1], [0], [0], [1], [0, 0, 1, 1], [], []>, transpose_lhs_hint = false} : vector<512x33xbf16>, vector<33x512xbf16>, vector<512x512xf32> -> vector<512x512xf32>
    %slice3A_103 = vector.extract_strided_slice %convert_element_type3A_17 {offsets = [0, 1024], sizes = [33, 512], strides = [1, 1]} : vector<33x8192xbf16> to vector<33x512xbf16>
    %dot_general3A_104 = arith.constant dense<0.000000e+00> : vector<512x512xf32>
    %dot_general3A_105 = tpu.matmul %convert_element_type3A, %slice3A_103, %dot_general3A_104 {dimension_numbers = #tpu.dot_dimension_numbers<[1], [0], [0], [1], [0, 0, 1, 1], [], []>, transpose_lhs_hint = false} : vector<512x33xbf16>, vector<33x512xbf16>, vector<512x512xf32> -> vector<512x512xf32>
    %slice3A_106 = vector.extract_strided_slice %convert_element_type3A_14 {offsets = [0, 1024], sizes = [33, 512], strides = [1, 1]} : vector<33x8192xbf16> to vector<33x512xbf16>
    %dot_general3A_107 = arith.constant dense<0.000000e+00> : vector<512x512xf32>
    %dot_general3A_108 = tpu.matmul %convert_element_type3A_13, %slice3A_106, %dot_general3A_107 {dimension_numbers = #tpu.dot_dimension_numbers<[1], [0], [0], [1], [0, 0, 1, 1], [], []>, transpose_lhs_hint = false} : vector<512x33xbf16>, vector<33x512xbf16>, vector<512x512xf32> -> vector<512x512xf32>
    %add3A_109 = arith.addf %dot_general3A_105, %dot_general3A_108 : vector<512x512xf32>
    %add3A_110 = arith.addf %dot_general3A_102, %add3A_109 : vector<512x512xf32>
    %slice3A_111 = vector.extract_strided_slice %add3A_110 {offsets = [0, 0], sizes = [512, 128], strides = [1, 1]} : vector<512x512xf32> to vector<512x128xf32>
    %lt3A_112 = arith.cmpf olt, %slice3A_111, %min3A_96 : vector<512x128xf32>
    %max3A_113 = arith.maximumf %min3A_96, %slice3A_111 : vector<512x128xf32>
    %min3A_114 = arith.minimumf %min3A_95, %max3A_113 : vector<512x128xf32>
    %min3A_115 = arith.minimumf %min3A_96, %slice3A_111 : vector<512x128xf32>
    %jit3A_116 = arith.constant 8 : i32
    %broadcast_in_dim3A_117 = vector.broadcast %jit3A_116 : i32 to vector<512x128xi32>
    %select_n3A_118 = arith.select %lt3A_112, %broadcast_in_dim3A_117, %select_n3A_99 : vector<512x128xi1>, vector<512x128xi32>
    %slice3A_119 = vector.extract_strided_slice %add3A_110 {offsets = [0, 128], sizes = [512, 128], strides = [1, 1]} : vector<512x512xf32> to vector<512x128xf32>
    %lt3A_120 = arith.cmpf olt, %slice3A_119, %min3A_115 : vector<512x128xf32>
    %max3A_121 = arith.maximumf %min3A_115, %slice3A_119 : vector<512x128xf32>
    %min3A_122 = arith.minimumf %min3A_114, %max3A_121 : vector<512x128xf32>
    %min3A_123 = arith.minimumf %min3A_115, %slice3A_119 : vector<512x128xf32>
    %jit3A_124 = arith.constant 9 : i32
    %broadcast_in_dim3A_125 = vector.broadcast %jit3A_124 : i32 to vector<512x128xi32>
    %select_n3A_126 = arith.select %lt3A_120, %broadcast_in_dim3A_125, %select_n3A_118 : vector<512x128xi1>, vector<512x128xi32>
    %slice3A_127 = vector.extract_strided_slice %add3A_110 {offsets = [0, 256], sizes = [512, 128], strides = [1, 1]} : vector<512x512xf32> to vector<512x128xf32>
    %lt3A_128 = arith.cmpf olt, %slice3A_127, %min3A_123 : vector<512x128xf32>
    %max3A_129 = arith.maximumf %min3A_123, %slice3A_127 : vector<512x128xf32>
    %min3A_130 = arith.minimumf %min3A_122, %max3A_129 : vector<512x128xf32>
    %min3A_131 = arith.minimumf %min3A_123, %slice3A_127 : vector<512x128xf32>
    %jit3A_132 = arith.constant 10 : i32
    %broadcast_in_dim3A_133 = vector.broadcast %jit3A_132 : i32 to vector<512x128xi32>
    %select_n3A_134 = arith.select %lt3A_128, %broadcast_in_dim3A_133, %select_n3A_126 : vector<512x128xi1>, vector<512x128xi32>
    %slice3A_135 = vector.extract_strided_slice %add3A_110 {offsets = [0, 384], sizes = [512, 128], strides = [1, 1]} : vector<512x512xf32> to vector<512x128xf32>
    %lt3A_136 = arith.cmpf olt, %slice3A_135, %min3A_131 : vector<512x128xf32>
    %max3A_137 = arith.maximumf %min3A_131, %slice3A_135 : vector<512x128xf32>
    %min3A_138 = arith.minimumf %min3A_130, %max3A_137 : vector<512x128xf32>
    %min3A_139 = arith.minimumf %min3A_131, %slice3A_135 : vector<512x128xf32>
    %jit3A_140 = arith.constant 11 : i32
    %broadcast_in_dim3A_141 = vector.broadcast %jit3A_140 : i32 to vector<512x128xi32>
    %select_n3A_142 = arith.select %lt3A_136, %broadcast_in_dim3A_141, %select_n3A_134 : vector<512x128xi1>, vector<512x128xi32>
    %slice3A_143 = vector.extract_strided_slice %convert_element_type3A_14 {offsets = [0, 1536], sizes = [33, 512], strides = [1, 1]} : vector<33x8192xbf16> to vector<33x512xbf16>
    %dot_general3A_144 = arith.constant dense<0.000000e+00> : vector<512x512xf32>
    %dot_general3A_145 = tpu.matmul %convert_element_type3A, %slice3A_143, %dot_general3A_144 {dimension_numbers = #tpu.dot_dimension_numbers<[1], [0], [0], [1], [0, 0, 1, 1], [], []>, transpose_lhs_hint = false} : vector<512x33xbf16>, vector<33x512xbf16>, vector<512x512xf32> -> vector<512x512xf32>
    %slice3A_146 = vector.extract_strided_slice %convert_element_type3A_17 {offsets = [0, 1536], sizes = [33, 512], strides = [1, 1]} : vector<33x8192xbf16> to vector<33x512xbf16>
    %dot_general3A_147 = arith.constant dense<0.000000e+00> : vector<512x512xf32>
    %dot_general3A_148 = tpu.matmul %convert_element_type3A, %slice3A_146, %dot_general3A_147 {dimension_numbers = #tpu.dot_dimension_numbers<[1], [0], [0], [1], [0, 0, 1, 1], [], []>, transpose_lhs_hint = false} : vector<512x33xbf16>, vector<33x512xbf16>, vector<512x512xf32> -> vector<512x512xf32>
    %slice3A_149 = vector.extract_strided_slice %convert_element_type3A_14 {offsets = [0, 1536], sizes = [33, 512], strides = [1, 1]} : vector<33x8192xbf16> to vector<33x512xbf16>
    %dot_general3A_150 = arith.constant dense<0.000000e+00> : vector<512x512xf32>
    %dot_general3A_151 = tpu.matmul %convert_element_type3A_13, %slice3A_149, %dot_general3A_150 {dimension_numbers = #tpu.dot_dimension_numbers<[1], [0], [0], [1], [0, 0, 1, 1], [], []>, transpose_lhs_hint = false} : vector<512x33xbf16>, vector<33x512xbf16>, vector<512x512xf32> -> vector<512x512xf32>
    %add3A_152 = arith.addf %dot_general3A_148, %dot_general3A_151 : vector<512x512xf32>
    %add3A_153 = arith.addf %dot_general3A_145, %add3A_152 : vector<512x512xf32>
    %slice3A_154 = vector.extract_strided_slice %add3A_153 {offsets = [0, 0], sizes = [512, 128], strides = [1, 1]} : vector<512x512xf32> to vector<512x128xf32>
    %lt3A_155 = arith.cmpf olt, %slice3A_154, %min3A_139 : vector<512x128xf32>
    %max3A_156 = arith.maximumf %min3A_139, %slice3A_154 : vector<512x128xf32>
    %min3A_157 = arith.minimumf %min3A_138, %max3A_156 : vector<512x128xf32>
    %min3A_158 = arith.minimumf %min3A_139, %slice3A_154 : vector<512x128xf32>
    %jit3A_159 = arith.constant 12 : i32
    %broadcast_in_dim3A_160 = vector.broadcast %jit3A_159 : i32 to vector<512x128xi32>
    %select_n3A_161 = arith.select %lt3A_155, %broadcast_in_dim3A_160, %select_n3A_142 : vector<512x128xi1>, vector<512x128xi32>
    %slice3A_162 = vector.extract_strided_slice %add3A_153 {offsets = [0, 128], sizes = [512, 128], strides = [1, 1]} : vector<512x512xf32> to vector<512x128xf32>
    %lt3A_163 = arith.cmpf olt, %slice3A_162, %min3A_158 : vector<512x128xf32>
    %max3A_164 = arith.maximumf %min3A_158, %slice3A_162 : vector<512x128xf32>
    %min3A_165 = arith.minimumf %min3A_157, %max3A_164 : vector<512x128xf32>
    %min3A_166 = arith.minimumf %min3A_158, %slice3A_162 : vector<512x128xf32>
    %jit3A_167 = arith.constant 13 : i32
    %broadcast_in_dim3A_168 = vector.broadcast %jit3A_167 : i32 to vector<512x128xi32>
    %select_n3A_169 = arith.select %lt3A_163, %broadcast_in_dim3A_168, %select_n3A_161 : vector<512x128xi1>, vector<512x128xi32>
    %slice3A_170 = vector.extract_strided_slice %add3A_153 {offsets = [0, 256], sizes = [512, 128], strides = [1, 1]} : vector<512x512xf32> to vector<512x128xf32>
    %lt3A_171 = arith.cmpf olt, %slice3A_170, %min3A_166 : vector<512x128xf32>
    %max3A_172 = arith.maximumf %min3A_166, %slice3A_170 : vector<512x128xf32>
    %min3A_173 = arith.minimumf %min3A_165, %max3A_172 : vector<512x128xf32>
    %min3A_174 = arith.minimumf %min3A_166, %slice3A_170 : vector<512x128xf32>
    %jit3A_175 = arith.constant 14 : i32
    %broadcast_in_dim3A_176 = vector.broadcast %jit3A_175 : i32 to vector<512x128xi32>
    %select_n3A_177 = arith.select %lt3A_171, %broadcast_in_dim3A_176, %select_n3A_169 : vector<512x128xi1>, vector<512x128xi32>
    %slice3A_178 = vector.extract_strided_slice %add3A_153 {offsets = [0, 384], sizes = [512, 128], strides = [1, 1]} : vector<512x512xf32> to vector<512x128xf32>
    %lt3A_179 = arith.cmpf olt, %slice3A_178, %min3A_174 : vector<512x128xf32>
    %max3A_180 = arith.maximumf %min3A_174, %slice3A_178 : vector<512x128xf32>
    %min3A_181 = arith.minimumf %min3A_173, %max3A_180 : vector<512x128xf32>
    %min3A_182 = arith.minimumf %min3A_174, %slice3A_178 : vector<512x128xf32>
    %jit3A_183 = arith.constant 15 : i32
    %broadcast_in_dim3A_184 = vector.broadcast %jit3A_183 : i32 to vector<512x128xi32>
    %select_n3A_185 = arith.select %lt3A_179, %broadcast_in_dim3A_184, %select_n3A_177 : vector<512x128xi1>, vector<512x128xi32>
    %slice3A_186 = vector.extract_strided_slice %convert_element_type3A_14 {offsets = [0, 2048], sizes = [33, 512], strides = [1, 1]} : vector<33x8192xbf16> to vector<33x512xbf16>
    %dot_general3A_187 = arith.constant dense<0.000000e+00> : vector<512x512xf32>
    %dot_general3A_188 = tpu.matmul %convert_element_type3A, %slice3A_186, %dot_general3A_187 {dimension_numbers = #tpu.dot_dimension_numbers<[1], [0], [0], [1], [0, 0, 1, 1], [], []>, transpose_lhs_hint = false} : vector<512x33xbf16>, vector<33x512xbf16>, vector<512x512xf32> -> vector<512x512xf32>
    %slice3A_189 = vector.extract_strided_slice %convert_element_type3A_17 {offsets = [0, 2048], sizes = [33, 512], strides = [1, 1]} : vector<33x8192xbf16> to vector<33x512xbf16>
    %dot_general3A_190 = arith.constant dense<0.000000e+00> : vector<512x512xf32>
    %dot_general3A_191 = tpu.matmul %convert_element_type3A, %slice3A_189, %dot_general3A_190 {dimension_numbers = #tpu.dot_dimension_numbers<[1], [0], [0], [1], [0, 0, 1, 1], [], []>, transpose_lhs_hint = false} : vector<512x33xbf16>, vector<33x512xbf16>, vector<512x512xf32> -> vector<512x512xf32>
    %slice3A_192 = vector.extract_strided_slice %convert_element_type3A_14 {offsets = [0, 2048], sizes = [33, 512], strides = [1, 1]} : vector<33x8192xbf16> to vector<33x512xbf16>
    %dot_general3A_193 = arith.constant dense<0.000000e+00> : vector<512x512xf32>
    %dot_general3A_194 = tpu.matmul %convert_element_type3A_13, %slice3A_192, %dot_general3A_193 {dimension_numbers = #tpu.dot_dimension_numbers<[1], [0], [0], [1], [0, 0, 1, 1], [], []>, transpose_lhs_hint = false} : vector<512x33xbf16>, vector<33x512xbf16>, vector<512x512xf32> -> vector<512x512xf32>
    %add3A_195 = arith.addf %dot_general3A_191, %dot_general3A_194 : vector<512x512xf32>
    %add3A_196 = arith.addf %dot_general3A_188, %add3A_195 : vector<512x512xf32>
    %slice3A_197 = vector.extract_strided_slice %add3A_196 {offsets = [0, 0], sizes = [512, 128], strides = [1, 1]} : vector<512x512xf32> to vector<512x128xf32>
    %lt3A_198 = arith.cmpf olt, %slice3A_197, %min3A_182 : vector<512x128xf32>
    %max3A_199 = arith.maximumf %min3A_182, %slice3A_197 : vector<512x128xf32>
    %min3A_200 = arith.minimumf %min3A_181, %max3A_199 : vector<512x128xf32>
    %min3A_201 = arith.minimumf %min3A_182, %slice3A_197 : vector<512x128xf32>
    %jit3A_202 = arith.constant 16 : i32
    %broadcast_in_dim3A_203 = vector.broadcast %jit3A_202 : i32 to vector<512x128xi32>
    %select_n3A_204 = arith.select %lt3A_198, %broadcast_in_dim3A_203, %select_n3A_185 : vector<512x128xi1>, vector<512x128xi32>
    %slice3A_205 = vector.extract_strided_slice %add3A_196 {offsets = [0, 128], sizes = [512, 128], strides = [1, 1]} : vector<512x512xf32> to vector<512x128xf32>
    %lt3A_206 = arith.cmpf olt, %slice3A_205, %min3A_201 : vector<512x128xf32>
    %max3A_207 = arith.maximumf %min3A_201, %slice3A_205 : vector<512x128xf32>
    %min3A_208 = arith.minimumf %min3A_200, %max3A_207 : vector<512x128xf32>
    %min3A_209 = arith.minimumf %min3A_201, %slice3A_205 : vector<512x128xf32>
    %jit3A_210 = arith.constant 17 : i32
    %broadcast_in_dim3A_211 = vector.broadcast %jit3A_210 : i32 to vector<512x128xi32>
    %select_n3A_212 = arith.select %lt3A_206, %broadcast_in_dim3A_211, %select_n3A_204 : vector<512x128xi1>, vector<512x128xi32>
    %slice3A_213 = vector.extract_strided_slice %add3A_196 {offsets = [0, 256], sizes = [512, 128], strides = [1, 1]} : vector<512x512xf32> to vector<512x128xf32>
    %lt3A_214 = arith.cmpf olt, %slice3A_213, %min3A_209 : vector<512x128xf32>
    %max3A_215 = arith.maximumf %min3A_209, %slice3A_213 : vector<512x128xf32>
    %min3A_216 = arith.minimumf %min3A_208, %max3A_215 : vector<512x128xf32>
    %min3A_217 = arith.minimumf %min3A_209, %slice3A_213 : vector<512x128xf32>
    %jit3A_218 = arith.constant 18 : i32
    %broadcast_in_dim3A_219 = vector.broadcast %jit3A_218 : i32 to vector<512x128xi32>
    %select_n3A_220 = arith.select %lt3A_214, %broadcast_in_dim3A_219, %select_n3A_212 : vector<512x128xi1>, vector<512x128xi32>
    %slice3A_221 = vector.extract_strided_slice %add3A_196 {offsets = [0, 384], sizes = [512, 128], strides = [1, 1]} : vector<512x512xf32> to vector<512x128xf32>
    %lt3A_222 = arith.cmpf olt, %slice3A_221, %min3A_217 : vector<512x128xf32>
    %max3A_223 = arith.maximumf %min3A_217, %slice3A_221 : vector<512x128xf32>
    %min3A_224 = arith.minimumf %min3A_216, %max3A_223 : vector<512x128xf32>
    %min3A_225 = arith.minimumf %min3A_217, %slice3A_221 : vector<512x128xf32>
    %jit3A_226 = arith.constant 19 : i32
    %broadcast_in_dim3A_227 = vector.broadcast %jit3A_226 : i32 to vector<512x128xi32>
    %select_n3A_228 = arith.select %lt3A_222, %broadcast_in_dim3A_227, %select_n3A_220 : vector<512x128xi1>, vector<512x128xi32>
    %slice3A_229 = vector.extract_strided_slice %convert_element_type3A_14 {offsets = [0, 2560], sizes = [33, 512], strides = [1, 1]} : vector<33x8192xbf16> to vector<33x512xbf16>
    %dot_general3A_230 = arith.constant dense<0.000000e+00> : vector<512x512xf32>
    %dot_general3A_231 = tpu.matmul %convert_element_type3A, %slice3A_229, %dot_general3A_230 {dimension_numbers = #tpu.dot_dimension_numbers<[1], [0], [0], [1], [0, 0, 1, 1], [], []>, transpose_lhs_hint = false} : vector<512x33xbf16>, vector<33x512xbf16>, vector<512x512xf32> -> vector<512x512xf32>
    %slice3A_232 = vector.extract_strided_slice %convert_element_type3A_17 {offsets = [0, 2560], sizes = [33, 512], strides = [1, 1]} : vector<33x8192xbf16> to vector<33x512xbf16>
    %dot_general3A_233 = arith.constant dense<0.000000e+00> : vector<512x512xf32>
    %dot_general3A_234 = tpu.matmul %convert_element_type3A, %slice3A_232, %dot_general3A_233 {dimension_numbers = #tpu.dot_dimension_numbers<[1], [0], [0], [1], [0, 0, 1, 1], [], []>, transpose_lhs_hint = false} : vector<512x33xbf16>, vector<33x512xbf16>, vector<512x512xf32> -> vector<512x512xf32>
    %slice3A_235 = vector.extract_strided_slice %convert_element_type3A_14 {offsets = [0, 2560], sizes = [33, 512], strides = [1, 1]} : vector<33x8192xbf16> to vector<33x512xbf16>
    %dot_general3A_236 = arith.constant dense<0.000000e+00> : vector<512x512xf32>
    %dot_general3A_237 = tpu.matmul %convert_element_type3A_13, %slice3A_235, %dot_general3A_236 {dimension_numbers = #tpu.dot_dimension_numbers<[1], [0], [0], [1], [0, 0, 1, 1], [], []>, transpose_lhs_hint = false} : vector<512x33xbf16>, vector<33x512xbf16>, vector<512x512xf32> -> vector<512x512xf32>
    %add3A_238 = arith.addf %dot_general3A_234, %dot_general3A_237 : vector<512x512xf32>
    %add3A_239 = arith.addf %dot_general3A_231, %add3A_238 : vector<512x512xf32>
    %slice3A_240 = vector.extract_strided_slice %add3A_239 {offsets = [0, 0], sizes = [512, 128], strides = [1, 1]} : vector<512x512xf32> to vector<512x128xf32>
    %lt3A_241 = arith.cmpf olt, %slice3A_240, %min3A_225 : vector<512x128xf32>
    %max3A_242 = arith.maximumf %min3A_225, %slice3A_240 : vector<512x128xf32>
    %min3A_243 = arith.minimumf %min3A_224, %max3A_242 : vector<512x128xf32>
    %min3A_244 = arith.minimumf %min3A_225, %slice3A_240 : vector<512x128xf32>
    %jit3A_245 = arith.constant 20 : i32
    %broadcast_in_dim3A_246 = vector.broadcast %jit3A_245 : i32 to vector<512x128xi32>
    %select_n3A_247 = arith.select %lt3A_241, %broadcast_in_dim3A_246, %select_n3A_228 : vector<512x128xi1>, vector<512x128xi32>
    %slice3A_248 = vector.extract_strided_slice %add3A_239 {offsets = [0, 128], sizes = [512, 128], strides = [1, 1]} : vector<512x512xf32> to vector<512x128xf32>
    %lt3A_249 = arith.cmpf olt, %slice3A_248, %min3A_244 : vector<512x128xf32>
    %max3A_250 = arith.maximumf %min3A_244, %slice3A_248 : vector<512x128xf32>
    %min3A_251 = arith.minimumf %min3A_243, %max3A_250 : vector<512x128xf32>
    %min3A_252 = arith.minimumf %min3A_244, %slice3A_248 : vector<512x128xf32>
    %jit3A_253 = arith.constant 21 : i32
    %broadcast_in_dim3A_254 = vector.broadcast %jit3A_253 : i32 to vector<512x128xi32>
    %select_n3A_255 = arith.select %lt3A_249, %broadcast_in_dim3A_254, %select_n3A_247 : vector<512x128xi1>, vector<512x128xi32>
    %slice3A_256 = vector.extract_strided_slice %add3A_239 {offsets = [0, 256], sizes = [512, 128], strides = [1, 1]} : vector<512x512xf32> to vector<512x128xf32>
    %lt3A_257 = arith.cmpf olt, %slice3A_256, %min3A_252 : vector<512x128xf32>
    %max3A_258 = arith.maximumf %min3A_252, %slice3A_256 : vector<512x128xf32>
    %min3A_259 = arith.minimumf %min3A_251, %max3A_258 : vector<512x128xf32>
    %min3A_260 = arith.minimumf %min3A_252, %slice3A_256 : vector<512x128xf32>
    %jit3A_261 = arith.constant 22 : i32
    %broadcast_in_dim3A_262 = vector.broadcast %jit3A_261 : i32 to vector<512x128xi32>
    %select_n3A_263 = arith.select %lt3A_257, %broadcast_in_dim3A_262, %select_n3A_255 : vector<512x128xi1>, vector<512x128xi32>
    %slice3A_264 = vector.extract_strided_slice %add3A_239 {offsets = [0, 384], sizes = [512, 128], strides = [1, 1]} : vector<512x512xf32> to vector<512x128xf32>
    %lt3A_265 = arith.cmpf olt, %slice3A_264, %min3A_260 : vector<512x128xf32>
    %max3A_266 = arith.maximumf %min3A_260, %slice3A_264 : vector<512x128xf32>
    %min3A_267 = arith.minimumf %min3A_259, %max3A_266 : vector<512x128xf32>
    %min3A_268 = arith.minimumf %min3A_260, %slice3A_264 : vector<512x128xf32>
    %jit3A_269 = arith.constant 23 : i32
    %broadcast_in_dim3A_270 = vector.broadcast %jit3A_269 : i32 to vector<512x128xi32>
    %select_n3A_271 = arith.select %lt3A_265, %broadcast_in_dim3A_270, %select_n3A_263 : vector<512x128xi1>, vector<512x128xi32>
    %slice3A_272 = vector.extract_strided_slice %convert_element_type3A_14 {offsets = [0, 3072], sizes = [33, 512], strides = [1, 1]} : vector<33x8192xbf16> to vector<33x512xbf16>
    %dot_general3A_273 = arith.constant dense<0.000000e+00> : vector<512x512xf32>
    %dot_general3A_274 = tpu.matmul %convert_element_type3A, %slice3A_272, %dot_general3A_273 {dimension_numbers = #tpu.dot_dimension_numbers<[1], [0], [0], [1], [0, 0, 1, 1], [], []>, transpose_lhs_hint = false} : vector<512x33xbf16>, vector<33x512xbf16>, vector<512x512xf32> -> vector<512x512xf32>
    %slice3A_275 = vector.extract_strided_slice %convert_element_type3A_17 {offsets = [0, 3072], sizes = [33, 512], strides = [1, 1]} : vector<33x8192xbf16> to vector<33x512xbf16>
    %dot_general3A_276 = arith.constant dense<0.000000e+00> : vector<512x512xf32>
    %dot_general3A_277 = tpu.matmul %convert_element_type3A, %slice3A_275, %dot_general3A_276 {dimension_numbers = #tpu.dot_dimension_numbers<[1], [0], [0], [1], [0, 0, 1, 1], [], []>, transpose_lhs_hint = false} : vector<512x33xbf16>, vector<33x512xbf16>, vector<512x512xf32> -> vector<512x512xf32>
    %slice3A_278 = vector.extract_strided_slice %convert_element_type3A_14 {offsets = [0, 3072], sizes = [33, 512], strides = [1, 1]} : vector<33x8192xbf16> to vector<33x512xbf16>
    %dot_general3A_279 = arith.constant dense<0.000000e+00> : vector<512x512xf32>
    %dot_general3A_280 = tpu.matmul %convert_element_type3A_13, %slice3A_278, %dot_general3A_279 {dimension_numbers = #tpu.dot_dimension_numbers<[1], [0], [0], [1], [0, 0, 1, 1], [], []>, transpose_lhs_hint = false} : vector<512x33xbf16>, vector<33x512xbf16>, vector<512x512xf32> -> vector<512x512xf32>
    %add3A_281 = arith.addf %dot_general3A_277, %dot_general3A_280 : vector<512x512xf32>
    %add3A_282 = arith.addf %dot_general3A_274, %add3A_281 : vector<512x512xf32>
    %slice3A_283 = vector.extract_strided_slice %add3A_282 {offsets = [0, 0], sizes = [512, 128], strides = [1, 1]} : vector<512x512xf32> to vector<512x128xf32>
    %lt3A_284 = arith.cmpf olt, %slice3A_283, %min3A_268 : vector<512x128xf32>
    %max3A_285 = arith.maximumf %min3A_268, %slice3A_283 : vector<512x128xf32>
    %min3A_286 = arith.minimumf %min3A_267, %max3A_285 : vector<512x128xf32>
    %min3A_287 = arith.minimumf %min3A_268, %slice3A_283 : vector<512x128xf32>
    %jit3A_288 = arith.constant 24 : i32
    %broadcast_in_dim3A_289 = vector.broadcast %jit3A_288 : i32 to vector<512x128xi32>
    %select_n3A_290 = arith.select %lt3A_284, %broadcast_in_dim3A_289, %select_n3A_271 : vector<512x128xi1>, vector<512x128xi32>
    %slice3A_291 = vector.extract_strided_slice %add3A_282 {offsets = [0, 128], sizes = [512, 128], strides = [1, 1]} : vector<512x512xf32> to vector<512x128xf32>
    %lt3A_292 = arith.cmpf olt, %slice3A_291, %min3A_287 : vector<512x128xf32>
    %max3A_293 = arith.maximumf %min3A_287, %slice3A_291 : vector<512x128xf32>
    %min3A_294 = arith.minimumf %min3A_286, %max3A_293 : vector<512x128xf32>
    %min3A_295 = arith.minimumf %min3A_287, %slice3A_291 : vector<512x128xf32>
    %jit3A_296 = arith.constant 25 : i32
    %broadcast_in_dim3A_297 = vector.broadcast %jit3A_296 : i32 to vector<512x128xi32>
    %select_n3A_298 = arith.select %lt3A_292, %broadcast_in_dim3A_297, %select_n3A_290 : vector<512x128xi1>, vector<512x128xi32>
    %slice3A_299 = vector.extract_strided_slice %add3A_282 {offsets = [0, 256], sizes = [512, 128], strides = [1, 1]} : vector<512x512xf32> to vector<512x128xf32>
    %lt3A_300 = arith.cmpf olt, %slice3A_299, %min3A_295 : vector<512x128xf32>
    %max3A_301 = arith.maximumf %min3A_295, %slice3A_299 : vector<512x128xf32>
    %min3A_302 = arith.minimumf %min3A_294, %max3A_301 : vector<512x128xf32>
    %min3A_303 = arith.minimumf %min3A_295, %slice3A_299 : vector<512x128xf32>
    %jit3A_304 = arith.constant 26 : i32
    %broadcast_in_dim3A_305 = vector.broadcast %jit3A_304 : i32 to vector<512x128xi32>
    %select_n3A_306 = arith.select %lt3A_300, %broadcast_in_dim3A_305, %select_n3A_298 : vector<512x128xi1>, vector<512x128xi32>
    %slice3A_307 = vector.extract_strided_slice %add3A_282 {offsets = [0, 384], sizes = [512, 128], strides = [1, 1]} : vector<512x512xf32> to vector<512x128xf32>
    %lt3A_308 = arith.cmpf olt, %slice3A_307, %min3A_303 : vector<512x128xf32>
    %max3A_309 = arith.maximumf %min3A_303, %slice3A_307 : vector<512x128xf32>
    %min3A_310 = arith.minimumf %min3A_302, %max3A_309 : vector<512x128xf32>
    %min3A_311 = arith.minimumf %min3A_303, %slice3A_307 : vector<512x128xf32>
    %jit3A_312 = arith.constant 27 : i32
    %broadcast_in_dim3A_313 = vector.broadcast %jit3A_312 : i32 to vector<512x128xi32>
    %select_n3A_314 = arith.select %lt3A_308, %broadcast_in_dim3A_313, %select_n3A_306 : vector<512x128xi1>, vector<512x128xi32>
    %slice3A_315 = vector.extract_strided_slice %convert_element_type3A_14 {offsets = [0, 3584], sizes = [33, 512], strides = [1, 1]} : vector<33x8192xbf16> to vector<33x512xbf16>
    %dot_general3A_316 = arith.constant dense<0.000000e+00> : vector<512x512xf32>
    %dot_general3A_317 = tpu.matmul %convert_element_type3A, %slice3A_315, %dot_general3A_316 {dimension_numbers = #tpu.dot_dimension_numbers<[1], [0], [0], [1], [0, 0, 1, 1], [], []>, transpose_lhs_hint = false} : vector<512x33xbf16>, vector<33x512xbf16>, vector<512x512xf32> -> vector<512x512xf32>
    %slice3A_318 = vector.extract_strided_slice %convert_element_type3A_17 {offsets = [0, 3584], sizes = [33, 512], strides = [1, 1]} : vector<33x8192xbf16> to vector<33x512xbf16>
    %dot_general3A_319 = arith.constant dense<0.000000e+00> : vector<512x512xf32>
    %dot_general3A_320 = tpu.matmul %convert_element_type3A, %slice3A_318, %dot_general3A_319 {dimension_numbers = #tpu.dot_dimension_numbers<[1], [0], [0], [1], [0, 0, 1, 1], [], []>, transpose_lhs_hint = false} : vector<512x33xbf16>, vector<33x512xbf16>, vector<512x512xf32> -> vector<512x512xf32>
    %slice3A_321 = vector.extract_strided_slice %convert_element_type3A_14 {offsets = [0, 3584], sizes = [33, 512], strides = [1, 1]} : vector<33x8192xbf16> to vector<33x512xbf16>
    %dot_general3A_322 = arith.constant dense<0.000000e+00> : vector<512x512xf32>
    %dot_general3A_323 = tpu.matmul %convert_element_type3A_13, %slice3A_321, %dot_general3A_322 {dimension_numbers = #tpu.dot_dimension_numbers<[1], [0], [0], [1], [0, 0, 1, 1], [], []>, transpose_lhs_hint = false} : vector<512x33xbf16>, vector<33x512xbf16>, vector<512x512xf32> -> vector<512x512xf32>
    %add3A_324 = arith.addf %dot_general3A_320, %dot_general3A_323 : vector<512x512xf32>
    %add3A_325 = arith.addf %dot_general3A_317, %add3A_324 : vector<512x512xf32>
    %slice3A_326 = vector.extract_strided_slice %add3A_325 {offsets = [0, 0], sizes = [512, 128], strides = [1, 1]} : vector<512x512xf32> to vector<512x128xf32>
    %lt3A_327 = arith.cmpf olt, %slice3A_326, %min3A_311 : vector<512x128xf32>
    %max3A_328 = arith.maximumf %min3A_311, %slice3A_326 : vector<512x128xf32>
    %min3A_329 = arith.minimumf %min3A_310, %max3A_328 : vector<512x128xf32>
    %min3A_330 = arith.minimumf %min3A_311, %slice3A_326 : vector<512x128xf32>
    %jit3A_331 = arith.constant 28 : i32
    %broadcast_in_dim3A_332 = vector.broadcast %jit3A_331 : i32 to vector<512x128xi32>
    %select_n3A_333 = arith.select %lt3A_327, %broadcast_in_dim3A_332, %select_n3A_314 : vector<512x128xi1>, vector<512x128xi32>
    %slice3A_334 = vector.extract_strided_slice %add3A_325 {offsets = [0, 128], sizes = [512, 128], strides = [1, 1]} : vector<512x512xf32> to vector<512x128xf32>
    %lt3A_335 = arith.cmpf olt, %slice3A_334, %min3A_330 : vector<512x128xf32>
    %max3A_336 = arith.maximumf %min3A_330, %slice3A_334 : vector<512x128xf32>
    %min3A_337 = arith.minimumf %min3A_329, %max3A_336 : vector<512x128xf32>
    %min3A_338 = arith.minimumf %min3A_330, %slice3A_334 : vector<512x128xf32>
    %jit3A_339 = arith.constant 29 : i32
    %broadcast_in_dim3A_340 = vector.broadcast %jit3A_339 : i32 to vector<512x128xi32>
    %select_n3A_341 = arith.select %lt3A_335, %broadcast_in_dim3A_340, %select_n3A_333 : vector<512x128xi1>, vector<512x128xi32>
    %slice3A_342 = vector.extract_strided_slice %add3A_325 {offsets = [0, 256], sizes = [512, 128], strides = [1, 1]} : vector<512x512xf32> to vector<512x128xf32>
    %lt3A_343 = arith.cmpf olt, %slice3A_342, %min3A_338 : vector<512x128xf32>
    %max3A_344 = arith.maximumf %min3A_338, %slice3A_342 : vector<512x128xf32>
    %min3A_345 = arith.minimumf %min3A_337, %max3A_344 : vector<512x128xf32>
    %min3A_346 = arith.minimumf %min3A_338, %slice3A_342 : vector<512x128xf32>
    %jit3A_347 = arith.constant 30 : i32
    %broadcast_in_dim3A_348 = vector.broadcast %jit3A_347 : i32 to vector<512x128xi32>
    %select_n3A_349 = arith.select %lt3A_343, %broadcast_in_dim3A_348, %select_n3A_341 : vector<512x128xi1>, vector<512x128xi32>
    %slice3A_350 = vector.extract_strided_slice %add3A_325 {offsets = [0, 384], sizes = [512, 128], strides = [1, 1]} : vector<512x512xf32> to vector<512x128xf32>
    %lt3A_351 = arith.cmpf olt, %slice3A_350, %min3A_346 : vector<512x128xf32>
    %max3A_352 = arith.maximumf %min3A_346, %slice3A_350 : vector<512x128xf32>
    %min3A_353 = arith.minimumf %min3A_345, %max3A_352 : vector<512x128xf32>
    %min3A_354 = arith.minimumf %min3A_346, %slice3A_350 : vector<512x128xf32>
    %jit3A_355 = arith.constant 31 : i32
    %broadcast_in_dim3A_356 = vector.broadcast %jit3A_355 : i32 to vector<512x128xi32>
    %select_n3A_357 = arith.select %lt3A_351, %broadcast_in_dim3A_356, %select_n3A_349 : vector<512x128xi1>, vector<512x128xi32>
    %slice3A_358 = vector.extract_strided_slice %convert_element_type3A_14 {offsets = [0, 4096], sizes = [33, 512], strides = [1, 1]} : vector<33x8192xbf16> to vector<33x512xbf16>
    %dot_general3A_359 = arith.constant dense<0.000000e+00> : vector<512x512xf32>
    %dot_general3A_360 = tpu.matmul %convert_element_type3A, %slice3A_358, %dot_general3A_359 {dimension_numbers = #tpu.dot_dimension_numbers<[1], [0], [0], [1], [0, 0, 1, 1], [], []>, transpose_lhs_hint = false} : vector<512x33xbf16>, vector<33x512xbf16>, vector<512x512xf32> -> vector<512x512xf32>
    %slice3A_361 = vector.extract_strided_slice %convert_element_type3A_17 {offsets = [0, 4096], sizes = [33, 512], strides = [1, 1]} : vector<33x8192xbf16> to vector<33x512xbf16>
    %dot_general3A_362 = arith.constant dense<0.000000e+00> : vector<512x512xf32>
    %dot_general3A_363 = tpu.matmul %convert_element_type3A, %slice3A_361, %dot_general3A_362 {dimension_numbers = #tpu.dot_dimension_numbers<[1], [0], [0], [1], [0, 0, 1, 1], [], []>, transpose_lhs_hint = false} : vector<512x33xbf16>, vector<33x512xbf16>, vector<512x512xf32> -> vector<512x512xf32>
    %slice3A_364 = vector.extract_strided_slice %convert_element_type3A_14 {offsets = [0, 4096], sizes = [33, 512], strides = [1, 1]} : vector<33x8192xbf16> to vector<33x512xbf16>
    %dot_general3A_365 = arith.constant dense<0.000000e+00> : vector<512x512xf32>
    %dot_general3A_366 = tpu.matmul %convert_element_type3A_13, %slice3A_364, %dot_general3A_365 {dimension_numbers = #tpu.dot_dimension_numbers<[1], [0], [0], [1], [0, 0, 1, 1], [], []>, transpose_lhs_hint = false} : vector<512x33xbf16>, vector<33x512xbf16>, vector<512x512xf32> -> vector<512x512xf32>
    %add3A_367 = arith.addf %dot_general3A_363, %dot_general3A_366 : vector<512x512xf32>
    %add3A_368 = arith.addf %dot_general3A_360, %add3A_367 : vector<512x512xf32>
    %slice3A_369 = vector.extract_strided_slice %add3A_368 {offsets = [0, 0], sizes = [512, 128], strides = [1, 1]} : vector<512x512xf32> to vector<512x128xf32>
    %lt3A_370 = arith.cmpf olt, %slice3A_369, %min3A_354 : vector<512x128xf32>
    %max3A_371 = arith.maximumf %min3A_354, %slice3A_369 : vector<512x128xf32>
    %min3A_372 = arith.minimumf %min3A_353, %max3A_371 : vector<512x128xf32>
    %min3A_373 = arith.minimumf %min3A_354, %slice3A_369 : vector<512x128xf32>
    %jit3A_374 = arith.constant 32 : i32
    %broadcast_in_dim3A_375 = vector.broadcast %jit3A_374 : i32 to vector<512x128xi32>
    %select_n3A_376 = arith.select %lt3A_370, %broadcast_in_dim3A_375, %select_n3A_357 : vector<512x128xi1>, vector<512x128xi32>
    %slice3A_377 = vector.extract_strided_slice %add3A_368 {offsets = [0, 128], sizes = [512, 128], strides = [1, 1]} : vector<512x512xf32> to vector<512x128xf32>
    %lt3A_378 = arith.cmpf olt, %slice3A_377, %min3A_373 : vector<512x128xf32>
    %max3A_379 = arith.maximumf %min3A_373, %slice3A_377 : vector<512x128xf32>
    %min3A_380 = arith.minimumf %min3A_372, %max3A_379 : vector<512x128xf32>
    %min3A_381 = arith.minimumf %min3A_373, %slice3A_377 : vector<512x128xf32>
    %jit3A_382 = arith.constant 33 : i32
    %broadcast_in_dim3A_383 = vector.broadcast %jit3A_382 : i32 to vector<512x128xi32>
    %select_n3A_384 = arith.select %lt3A_378, %broadcast_in_dim3A_383, %select_n3A_376 : vector<512x128xi1>, vector<512x128xi32>
    %slice3A_385 = vector.extract_strided_slice %add3A_368 {offsets = [0, 256], sizes = [512, 128], strides = [1, 1]} : vector<512x512xf32> to vector<512x128xf32>
    %lt3A_386 = arith.cmpf olt, %slice3A_385, %min3A_381 : vector<512x128xf32>
    %max3A_387 = arith.maximumf %min3A_381, %slice3A_385 : vector<512x128xf32>
    %min3A_388 = arith.minimumf %min3A_380, %max3A_387 : vector<512x128xf32>
    %min3A_389 = arith.minimumf %min3A_381, %slice3A_385 : vector<512x128xf32>
    %jit3A_390 = arith.constant 34 : i32
    %broadcast_in_dim3A_391 = vector.broadcast %jit3A_390 : i32 to vector<512x128xi32>
    %select_n3A_392 = arith.select %lt3A_386, %broadcast_in_dim3A_391, %select_n3A_384 : vector<512x128xi1>, vector<512x128xi32>
    %slice3A_393 = vector.extract_strided_slice %add3A_368 {offsets = [0, 384], sizes = [512, 128], strides = [1, 1]} : vector<512x512xf32> to vector<512x128xf32>
    %lt3A_394 = arith.cmpf olt, %slice3A_393, %min3A_389 : vector<512x128xf32>
    %max3A_395 = arith.maximumf %min3A_389, %slice3A_393 : vector<512x128xf32>
    %min3A_396 = arith.minimumf %min3A_388, %max3A_395 : vector<512x128xf32>
    %min3A_397 = arith.minimumf %min3A_389, %slice3A_393 : vector<512x128xf32>
    %jit3A_398 = arith.constant 35 : i32
    %broadcast_in_dim3A_399 = vector.broadcast %jit3A_398 : i32 to vector<512x128xi32>
    %select_n3A_400 = arith.select %lt3A_394, %broadcast_in_dim3A_399, %select_n3A_392 : vector<512x128xi1>, vector<512x128xi32>
    %slice3A_401 = vector.extract_strided_slice %convert_element_type3A_14 {offsets = [0, 4608], sizes = [33, 512], strides = [1, 1]} : vector<33x8192xbf16> to vector<33x512xbf16>
    %dot_general3A_402 = arith.constant dense<0.000000e+00> : vector<512x512xf32>
    %dot_general3A_403 = tpu.matmul %convert_element_type3A, %slice3A_401, %dot_general3A_402 {dimension_numbers = #tpu.dot_dimension_numbers<[1], [0], [0], [1], [0, 0, 1, 1], [], []>, transpose_lhs_hint = false} : vector<512x33xbf16>, vector<33x512xbf16>, vector<512x512xf32> -> vector<512x512xf32>
    %slice3A_404 = vector.extract_strided_slice %convert_element_type3A_17 {offsets = [0, 4608], sizes = [33, 512], strides = [1, 1]} : vector<33x8192xbf16> to vector<33x512xbf16>
    %dot_general3A_405 = arith.constant dense<0.000000e+00> : vector<512x512xf32>
    %dot_general3A_406 = tpu.matmul %convert_element_type3A, %slice3A_404, %dot_general3A_405 {dimension_numbers = #tpu.dot_dimension_numbers<[1], [0], [0], [1], [0, 0, 1, 1], [], []>, transpose_lhs_hint = false} : vector<512x33xbf16>, vector<33x512xbf16>, vector<512x512xf32> -> vector<512x512xf32>
    %slice3A_407 = vector.extract_strided_slice %convert_element_type3A_14 {offsets = [0, 4608], sizes = [33, 512], strides = [1, 1]} : vector<33x8192xbf16> to vector<33x512xbf16>
    %dot_general3A_408 = arith.constant dense<0.000000e+00> : vector<512x512xf32>
    %dot_general3A_409 = tpu.matmul %convert_element_type3A_13, %slice3A_407, %dot_general3A_408 {dimension_numbers = #tpu.dot_dimension_numbers<[1], [0], [0], [1], [0, 0, 1, 1], [], []>, transpose_lhs_hint = false} : vector<512x33xbf16>, vector<33x512xbf16>, vector<512x512xf32> -> vector<512x512xf32>
    %add3A_410 = arith.addf %dot_general3A_406, %dot_general3A_409 : vector<512x512xf32>
    %add3A_411 = arith.addf %dot_general3A_403, %add3A_410 : vector<512x512xf32>
    %slice3A_412 = vector.extract_strided_slice %add3A_411 {offsets = [0, 0], sizes = [512, 128], strides = [1, 1]} : vector<512x512xf32> to vector<512x128xf32>
    %lt3A_413 = arith.cmpf olt, %slice3A_412, %min3A_397 : vector<512x128xf32>
    %max3A_414 = arith.maximumf %min3A_397, %slice3A_412 : vector<512x128xf32>
    %min3A_415 = arith.minimumf %min3A_396, %max3A_414 : vector<512x128xf32>
    %min3A_416 = arith.minimumf %min3A_397, %slice3A_412 : vector<512x128xf32>
    %jit3A_417 = arith.constant 36 : i32
    %broadcast_in_dim3A_418 = vector.broadcast %jit3A_417 : i32 to vector<512x128xi32>
    %select_n3A_419 = arith.select %lt3A_413, %broadcast_in_dim3A_418, %select_n3A_400 : vector<512x128xi1>, vector<512x128xi32>
    %slice3A_420 = vector.extract_strided_slice %add3A_411 {offsets = [0, 128], sizes = [512, 128], strides = [1, 1]} : vector<512x512xf32> to vector<512x128xf32>
    %lt3A_421 = arith.cmpf olt, %slice3A_420, %min3A_416 : vector<512x128xf32>
    %max3A_422 = arith.maximumf %min3A_416, %slice3A_420 : vector<512x128xf32>
    %min3A_423 = arith.minimumf %min3A_415, %max3A_422 : vector<512x128xf32>
    %min3A_424 = arith.minimumf %min3A_416, %slice3A_420 : vector<512x128xf32>
    %jit3A_425 = arith.constant 37 : i32
    %broadcast_in_dim3A_426 = vector.broadcast %jit3A_425 : i32 to vector<512x128xi32>
    %select_n3A_427 = arith.select %lt3A_421, %broadcast_in_dim3A_426, %select_n3A_419 : vector<512x128xi1>, vector<512x128xi32>
    %slice3A_428 = vector.extract_strided_slice %add3A_411 {offsets = [0, 256], sizes = [512, 128], strides = [1, 1]} : vector<512x512xf32> to vector<512x128xf32>
    %lt3A_429 = arith.cmpf olt, %slice3A_428, %min3A_424 : vector<512x128xf32>
    %max3A_430 = arith.maximumf %min3A_424, %slice3A_428 : vector<512x128xf32>
    %min3A_431 = arith.minimumf %min3A_423, %max3A_430 : vector<512x128xf32>
    %min3A_432 = arith.minimumf %min3A_424, %slice3A_428 : vector<512x128xf32>
    %jit3A_433 = arith.constant 38 : i32
    %broadcast_in_dim3A_434 = vector.broadcast %jit3A_433 : i32 to vector<512x128xi32>
    %select_n3A_435 = arith.select %lt3A_429, %broadcast_in_dim3A_434, %select_n3A_427 : vector<512x128xi1>, vector<512x128xi32>
    %slice3A_436 = vector.extract_strided_slice %add3A_411 {offsets = [0, 384], sizes = [512, 128], strides = [1, 1]} : vector<512x512xf32> to vector<512x128xf32>
    %lt3A_437 = arith.cmpf olt, %slice3A_436, %min3A_432 : vector<512x128xf32>
    %max3A_438 = arith.maximumf %min3A_432, %slice3A_436 : vector<512x128xf32>
    %min3A_439 = arith.minimumf %min3A_431, %max3A_438 : vector<512x128xf32>
    %min3A_440 = arith.minimumf %min3A_432, %slice3A_436 : vector<512x128xf32>
    %jit3A_441 = arith.constant 39 : i32
    %broadcast_in_dim3A_442 = vector.broadcast %jit3A_441 : i32 to vector<512x128xi32>
    %select_n3A_443 = arith.select %lt3A_437, %broadcast_in_dim3A_442, %select_n3A_435 : vector<512x128xi1>, vector<512x128xi32>
    %slice3A_444 = vector.extract_strided_slice %convert_element_type3A_14 {offsets = [0, 5120], sizes = [33, 512], strides = [1, 1]} : vector<33x8192xbf16> to vector<33x512xbf16>
    %dot_general3A_445 = arith.constant dense<0.000000e+00> : vector<512x512xf32>
    %dot_general3A_446 = tpu.matmul %convert_element_type3A, %slice3A_444, %dot_general3A_445 {dimension_numbers = #tpu.dot_dimension_numbers<[1], [0], [0], [1], [0, 0, 1, 1], [], []>, transpose_lhs_hint = false} : vector<512x33xbf16>, vector<33x512xbf16>, vector<512x512xf32> -> vector<512x512xf32>
    %slice3A_447 = vector.extract_strided_slice %convert_element_type3A_17 {offsets = [0, 5120], sizes = [33, 512], strides = [1, 1]} : vector<33x8192xbf16> to vector<33x512xbf16>
    %dot_general3A_448 = arith.constant dense<0.000000e+00> : vector<512x512xf32>
    %dot_general3A_449 = tpu.matmul %convert_element_type3A, %slice3A_447, %dot_general3A_448 {dimension_numbers = #tpu.dot_dimension_numbers<[1], [0], [0], [1], [0, 0, 1, 1], [], []>, transpose_lhs_hint = false} : vector<512x33xbf16>, vector<33x512xbf16>, vector<512x512xf32> -> vector<512x512xf32>
    %slice3A_450 = vector.extract_strided_slice %convert_element_type3A_14 {offsets = [0, 5120], sizes = [33, 512], strides = [1, 1]} : vector<33x8192xbf16> to vector<33x512xbf16>
    %dot_general3A_451 = arith.constant dense<0.000000e+00> : vector<512x512xf32>
    %dot_general3A_452 = tpu.matmul %convert_element_type3A_13, %slice3A_450, %dot_general3A_451 {dimension_numbers = #tpu.dot_dimension_numbers<[1], [0], [0], [1], [0, 0, 1, 1], [], []>, transpose_lhs_hint = false} : vector<512x33xbf16>, vector<33x512xbf16>, vector<512x512xf32> -> vector<512x512xf32>
    %add3A_453 = arith.addf %dot_general3A_449, %dot_general3A_452 : vector<512x512xf32>
    %add3A_454 = arith.addf %dot_general3A_446, %add3A_453 : vector<512x512xf32>
    %slice3A_455 = vector.extract_strided_slice %add3A_454 {offsets = [0, 0], sizes = [512, 128], strides = [1, 1]} : vector<512x512xf32> to vector<512x128xf32>
    %lt3A_456 = arith.cmpf olt, %slice3A_455, %min3A_440 : vector<512x128xf32>
    %max3A_457 = arith.maximumf %min3A_440, %slice3A_455 : vector<512x128xf32>
    %min3A_458 = arith.minimumf %min3A_439, %max3A_457 : vector<512x128xf32>
    %min3A_459 = arith.minimumf %min3A_440, %slice3A_455 : vector<512x128xf32>
    %jit3A_460 = arith.constant 40 : i32
    %broadcast_in_dim3A_461 = vector.broadcast %jit3A_460 : i32 to vector<512x128xi32>
    %select_n3A_462 = arith.select %lt3A_456, %broadcast_in_dim3A_461, %select_n3A_443 : vector<512x128xi1>, vector<512x128xi32>
    %slice3A_463 = vector.extract_strided_slice %add3A_454 {offsets = [0, 128], sizes = [512, 128], strides = [1, 1]} : vector<512x512xf32> to vector<512x128xf32>
    %lt3A_464 = arith.cmpf olt, %slice3A_463, %min3A_459 : vector<512x128xf32>
    %max3A_465 = arith.maximumf %min3A_459, %slice3A_463 : vector<512x128xf32>
    %min3A_466 = arith.minimumf %min3A_458, %max3A_465 : vector<512x128xf32>
    %min3A_467 = arith.minimumf %min3A_459, %slice3A_463 : vector<512x128xf32>
    %jit3A_468 = arith.constant 41 : i32
    %broadcast_in_dim3A_469 = vector.broadcast %jit3A_468 : i32 to vector<512x128xi32>
    %select_n3A_470 = arith.select %lt3A_464, %broadcast_in_dim3A_469, %select_n3A_462 : vector<512x128xi1>, vector<512x128xi32>
    %slice3A_471 = vector.extract_strided_slice %add3A_454 {offsets = [0, 256], sizes = [512, 128], strides = [1, 1]} : vector<512x512xf32> to vector<512x128xf32>
    %lt3A_472 = arith.cmpf olt, %slice3A_471, %min3A_467 : vector<512x128xf32>
    %max3A_473 = arith.maximumf %min3A_467, %slice3A_471 : vector<512x128xf32>
    %min3A_474 = arith.minimumf %min3A_466, %max3A_473 : vector<512x128xf32>
    %min3A_475 = arith.minimumf %min3A_467, %slice3A_471 : vector<512x128xf32>
    %jit3A_476 = arith.constant 42 : i32
    %broadcast_in_dim3A_477 = vector.broadcast %jit3A_476 : i32 to vector<512x128xi32>
    %select_n3A_478 = arith.select %lt3A_472, %broadcast_in_dim3A_477, %select_n3A_470 : vector<512x128xi1>, vector<512x128xi32>
    %slice3A_479 = vector.extract_strided_slice %add3A_454 {offsets = [0, 384], sizes = [512, 128], strides = [1, 1]} : vector<512x512xf32> to vector<512x128xf32>
    %lt3A_480 = arith.cmpf olt, %slice3A_479, %min3A_475 : vector<512x128xf32>
    %max3A_481 = arith.maximumf %min3A_475, %slice3A_479 : vector<512x128xf32>
    %min3A_482 = arith.minimumf %min3A_474, %max3A_481 : vector<512x128xf32>
    %min3A_483 = arith.minimumf %min3A_475, %slice3A_479 : vector<512x128xf32>
    %jit3A_484 = arith.constant 43 : i32
    %broadcast_in_dim3A_485 = vector.broadcast %jit3A_484 : i32 to vector<512x128xi32>
    %select_n3A_486 = arith.select %lt3A_480, %broadcast_in_dim3A_485, %select_n3A_478 : vector<512x128xi1>, vector<512x128xi32>
    %slice3A_487 = vector.extract_strided_slice %convert_element_type3A_14 {offsets = [0, 5632], sizes = [33, 512], strides = [1, 1]} : vector<33x8192xbf16> to vector<33x512xbf16>
    %dot_general3A_488 = arith.constant dense<0.000000e+00> : vector<512x512xf32>
    %dot_general3A_489 = tpu.matmul %convert_element_type3A, %slice3A_487, %dot_general3A_488 {dimension_numbers = #tpu.dot_dimension_numbers<[1], [0], [0], [1], [0, 0, 1, 1], [], []>, transpose_lhs_hint = false} : vector<512x33xbf16>, vector<33x512xbf16>, vector<512x512xf32> -> vector<512x512xf32>
    %slice3A_490 = vector.extract_strided_slice %convert_element_type3A_17 {offsets = [0, 5632], sizes = [33, 512], strides = [1, 1]} : vector<33x8192xbf16> to vector<33x512xbf16>
    %dot_general3A_491 = arith.constant dense<0.000000e+00> : vector<512x512xf32>
    %dot_general3A_492 = tpu.matmul %convert_element_type3A, %slice3A_490, %dot_general3A_491 {dimension_numbers = #tpu.dot_dimension_numbers<[1], [0], [0], [1], [0, 0, 1, 1], [], []>, transpose_lhs_hint = false} : vector<512x33xbf16>, vector<33x512xbf16>, vector<512x512xf32> -> vector<512x512xf32>
    %slice3A_493 = vector.extract_strided_slice %convert_element_type3A_14 {offsets = [0, 5632], sizes = [33, 512], strides = [1, 1]} : vector<33x8192xbf16> to vector<33x512xbf16>
    %dot_general3A_494 = arith.constant dense<0.000000e+00> : vector<512x512xf32>
    %dot_general3A_495 = tpu.matmul %convert_element_type3A_13, %slice3A_493, %dot_general3A_494 {dimension_numbers = #tpu.dot_dimension_numbers<[1], [0], [0], [1], [0, 0, 1, 1], [], []>, transpose_lhs_hint = false} : vector<512x33xbf16>, vector<33x512xbf16>, vector<512x512xf32> -> vector<512x512xf32>
    %add3A_496 = arith.addf %dot_general3A_492, %dot_general3A_495 : vector<512x512xf32>
    %add3A_497 = arith.addf %dot_general3A_489, %add3A_496 : vector<512x512xf32>
    %slice3A_498 = vector.extract_strided_slice %add3A_497 {offsets = [0, 0], sizes = [512, 128], strides = [1, 1]} : vector<512x512xf32> to vector<512x128xf32>
    %lt3A_499 = arith.cmpf olt, %slice3A_498, %min3A_483 : vector<512x128xf32>
    %max3A_500 = arith.maximumf %min3A_483, %slice3A_498 : vector<512x128xf32>
    %min3A_501 = arith.minimumf %min3A_482, %max3A_500 : vector<512x128xf32>
    %min3A_502 = arith.minimumf %min3A_483, %slice3A_498 : vector<512x128xf32>
    %jit3A_503 = arith.constant 44 : i32
    %broadcast_in_dim3A_504 = vector.broadcast %jit3A_503 : i32 to vector<512x128xi32>
    %select_n3A_505 = arith.select %lt3A_499, %broadcast_in_dim3A_504, %select_n3A_486 : vector<512x128xi1>, vector<512x128xi32>
    %slice3A_506 = vector.extract_strided_slice %add3A_497 {offsets = [0, 128], sizes = [512, 128], strides = [1, 1]} : vector<512x512xf32> to vector<512x128xf32>
    %lt3A_507 = arith.cmpf olt, %slice3A_506, %min3A_502 : vector<512x128xf32>
    %max3A_508 = arith.maximumf %min3A_502, %slice3A_506 : vector<512x128xf32>
    %min3A_509 = arith.minimumf %min3A_501, %max3A_508 : vector<512x128xf32>
    %min3A_510 = arith.minimumf %min3A_502, %slice3A_506 : vector<512x128xf32>
    %jit3A_511 = arith.constant 45 : i32
    %broadcast_in_dim3A_512 = vector.broadcast %jit3A_511 : i32 to vector<512x128xi32>
    %select_n3A_513 = arith.select %lt3A_507, %broadcast_in_dim3A_512, %select_n3A_505 : vector<512x128xi1>, vector<512x128xi32>
    %slice3A_514 = vector.extract_strided_slice %add3A_497 {offsets = [0, 256], sizes = [512, 128], strides = [1, 1]} : vector<512x512xf32> to vector<512x128xf32>
    %lt3A_515 = arith.cmpf olt, %slice3A_514, %min3A_510 : vector<512x128xf32>
    %max3A_516 = arith.maximumf %min3A_510, %slice3A_514 : vector<512x128xf32>
    %min3A_517 = arith.minimumf %min3A_509, %max3A_516 : vector<512x128xf32>
    %min3A_518 = arith.minimumf %min3A_510, %slice3A_514 : vector<512x128xf32>
    %jit3A_519 = arith.constant 46 : i32
    %broadcast_in_dim3A_520 = vector.broadcast %jit3A_519 : i32 to vector<512x128xi32>
    %select_n3A_521 = arith.select %lt3A_515, %broadcast_in_dim3A_520, %select_n3A_513 : vector<512x128xi1>, vector<512x128xi32>
    %slice3A_522 = vector.extract_strided_slice %add3A_497 {offsets = [0, 384], sizes = [512, 128], strides = [1, 1]} : vector<512x512xf32> to vector<512x128xf32>
    %lt3A_523 = arith.cmpf olt, %slice3A_522, %min3A_518 : vector<512x128xf32>
    %max3A_524 = arith.maximumf %min3A_518, %slice3A_522 : vector<512x128xf32>
    %min3A_525 = arith.minimumf %min3A_517, %max3A_524 : vector<512x128xf32>
    %min3A_526 = arith.minimumf %min3A_518, %slice3A_522 : vector<512x128xf32>
    %jit3A_527 = arith.constant 47 : i32
    %broadcast_in_dim3A_528 = vector.broadcast %jit3A_527 : i32 to vector<512x128xi32>
    %select_n3A_529 = arith.select %lt3A_523, %broadcast_in_dim3A_528, %select_n3A_521 : vector<512x128xi1>, vector<512x128xi32>
    %slice3A_530 = vector.extract_strided_slice %convert_element_type3A_14 {offsets = [0, 6144], sizes = [33, 512], strides = [1, 1]} : vector<33x8192xbf16> to vector<33x512xbf16>
    %dot_general3A_531 = arith.constant dense<0.000000e+00> : vector<512x512xf32>
    %dot_general3A_532 = tpu.matmul %convert_element_type3A, %slice3A_530, %dot_general3A_531 {dimension_numbers = #tpu.dot_dimension_numbers<[1], [0], [0], [1], [0, 0, 1, 1], [], []>, transpose_lhs_hint = false} : vector<512x33xbf16>, vector<33x512xbf16>, vector<512x512xf32> -> vector<512x512xf32>
    %slice3A_533 = vector.extract_strided_slice %convert_element_type3A_17 {offsets = [0, 6144], sizes = [33, 512], strides = [1, 1]} : vector<33x8192xbf16> to vector<33x512xbf16>
    %dot_general3A_534 = arith.constant dense<0.000000e+00> : vector<512x512xf32>
    %dot_general3A_535 = tpu.matmul %convert_element_type3A, %slice3A_533, %dot_general3A_534 {dimension_numbers = #tpu.dot_dimension_numbers<[1], [0], [0], [1], [0, 0, 1, 1], [], []>, transpose_lhs_hint = false} : vector<512x33xbf16>, vector<33x512xbf16>, vector<512x512xf32> -> vector<512x512xf32>
    %slice3A_536 = vector.extract_strided_slice %convert_element_type3A_14 {offsets = [0, 6144], sizes = [33, 512], strides = [1, 1]} : vector<33x8192xbf16> to vector<33x512xbf16>
    %dot_general3A_537 = arith.constant dense<0.000000e+00> : vector<512x512xf32>
    %dot_general3A_538 = tpu.matmul %convert_element_type3A_13, %slice3A_536, %dot_general3A_537 {dimension_numbers = #tpu.dot_dimension_numbers<[1], [0], [0], [1], [0, 0, 1, 1], [], []>, transpose_lhs_hint = false} : vector<512x33xbf16>, vector<33x512xbf16>, vector<512x512xf32> -> vector<512x512xf32>
    %add3A_539 = arith.addf %dot_general3A_535, %dot_general3A_538 : vector<512x512xf32>
    %add3A_540 = arith.addf %dot_general3A_532, %add3A_539 : vector<512x512xf32>
    %slice3A_541 = vector.extract_strided_slice %add3A_540 {offsets = [0, 0], sizes = [512, 128], strides = [1, 1]} : vector<512x512xf32> to vector<512x128xf32>
    %lt3A_542 = arith.cmpf olt, %slice3A_541, %min3A_526 : vector<512x128xf32>
    %max3A_543 = arith.maximumf %min3A_526, %slice3A_541 : vector<512x128xf32>
    %min3A_544 = arith.minimumf %min3A_525, %max3A_543 : vector<512x128xf32>
    %min3A_545 = arith.minimumf %min3A_526, %slice3A_541 : vector<512x128xf32>
    %jit3A_546 = arith.constant 48 : i32
    %broadcast_in_dim3A_547 = vector.broadcast %jit3A_546 : i32 to vector<512x128xi32>
    %select_n3A_548 = arith.select %lt3A_542, %broadcast_in_dim3A_547, %select_n3A_529 : vector<512x128xi1>, vector<512x128xi32>
    %slice3A_549 = vector.extract_strided_slice %add3A_540 {offsets = [0, 128], sizes = [512, 128], strides = [1, 1]} : vector<512x512xf32> to vector<512x128xf32>
    %lt3A_550 = arith.cmpf olt, %slice3A_549, %min3A_545 : vector<512x128xf32>
    %max3A_551 = arith.maximumf %min3A_545, %slice3A_549 : vector<512x128xf32>
    %min3A_552 = arith.minimumf %min3A_544, %max3A_551 : vector<512x128xf32>
    %min3A_553 = arith.minimumf %min3A_545, %slice3A_549 : vector<512x128xf32>
    %jit3A_554 = arith.constant 49 : i32
    %broadcast_in_dim3A_555 = vector.broadcast %jit3A_554 : i32 to vector<512x128xi32>
    %select_n3A_556 = arith.select %lt3A_550, %broadcast_in_dim3A_555, %select_n3A_548 : vector<512x128xi1>, vector<512x128xi32>
    %slice3A_557 = vector.extract_strided_slice %add3A_540 {offsets = [0, 256], sizes = [512, 128], strides = [1, 1]} : vector<512x512xf32> to vector<512x128xf32>
    %lt3A_558 = arith.cmpf olt, %slice3A_557, %min3A_553 : vector<512x128xf32>
    %max3A_559 = arith.maximumf %min3A_553, %slice3A_557 : vector<512x128xf32>
    %min3A_560 = arith.minimumf %min3A_552, %max3A_559 : vector<512x128xf32>
    %min3A_561 = arith.minimumf %min3A_553, %slice3A_557 : vector<512x128xf32>
    %jit3A_562 = arith.constant 50 : i32
    %broadcast_in_dim3A_563 = vector.broadcast %jit3A_562 : i32 to vector<512x128xi32>
    %select_n3A_564 = arith.select %lt3A_558, %broadcast_in_dim3A_563, %select_n3A_556 : vector<512x128xi1>, vector<512x128xi32>
    %slice3A_565 = vector.extract_strided_slice %add3A_540 {offsets = [0, 384], sizes = [512, 128], strides = [1, 1]} : vector<512x512xf32> to vector<512x128xf32>
    %lt3A_566 = arith.cmpf olt, %slice3A_565, %min3A_561 : vector<512x128xf32>
    %max3A_567 = arith.maximumf %min3A_561, %slice3A_565 : vector<512x128xf32>
    %min3A_568 = arith.minimumf %min3A_560, %max3A_567 : vector<512x128xf32>
    %min3A_569 = arith.minimumf %min3A_561, %slice3A_565 : vector<512x128xf32>
    %jit3A_570 = arith.constant 51 : i32
    %broadcast_in_dim3A_571 = vector.broadcast %jit3A_570 : i32 to vector<512x128xi32>
    %select_n3A_572 = arith.select %lt3A_566, %broadcast_in_dim3A_571, %select_n3A_564 : vector<512x128xi1>, vector<512x128xi32>
    %slice3A_573 = vector.extract_strided_slice %convert_element_type3A_14 {offsets = [0, 6656], sizes = [33, 512], strides = [1, 1]} : vector<33x8192xbf16> to vector<33x512xbf16>
    %dot_general3A_574 = arith.constant dense<0.000000e+00> : vector<512x512xf32>
    %dot_general3A_575 = tpu.matmul %convert_element_type3A, %slice3A_573, %dot_general3A_574 {dimension_numbers = #tpu.dot_dimension_numbers<[1], [0], [0], [1], [0, 0, 1, 1], [], []>, transpose_lhs_hint = false} : vector<512x33xbf16>, vector<33x512xbf16>, vector<512x512xf32> -> vector<512x512xf32>
    %slice3A_576 = vector.extract_strided_slice %convert_element_type3A_17 {offsets = [0, 6656], sizes = [33, 512], strides = [1, 1]} : vector<33x8192xbf16> to vector<33x512xbf16>
    %dot_general3A_577 = arith.constant dense<0.000000e+00> : vector<512x512xf32>
    %dot_general3A_578 = tpu.matmul %convert_element_type3A, %slice3A_576, %dot_general3A_577 {dimension_numbers = #tpu.dot_dimension_numbers<[1], [0], [0], [1], [0, 0, 1, 1], [], []>, transpose_lhs_hint = false} : vector<512x33xbf16>, vector<33x512xbf16>, vector<512x512xf32> -> vector<512x512xf32>
    %slice3A_579 = vector.extract_strided_slice %convert_element_type3A_14 {offsets = [0, 6656], sizes = [33, 512], strides = [1, 1]} : vector<33x8192xbf16> to vector<33x512xbf16>
    %dot_general3A_580 = arith.constant dense<0.000000e+00> : vector<512x512xf32>
    %dot_general3A_581 = tpu.matmul %convert_element_type3A_13, %slice3A_579, %dot_general3A_580 {dimension_numbers = #tpu.dot_dimension_numbers<[1], [0], [0], [1], [0, 0, 1, 1], [], []>, transpose_lhs_hint = false} : vector<512x33xbf16>, vector<33x512xbf16>, vector<512x512xf32> -> vector<512x512xf32>
    %add3A_582 = arith.addf %dot_general3A_578, %dot_general3A_581 : vector<512x512xf32>
    %add3A_583 = arith.addf %dot_general3A_575, %add3A_582 : vector<512x512xf32>
    %slice3A_584 = vector.extract_strided_slice %add3A_583 {offsets = [0, 0], sizes = [512, 128], strides = [1, 1]} : vector<512x512xf32> to vector<512x128xf32>
    %lt3A_585 = arith.cmpf olt, %slice3A_584, %min3A_569 : vector<512x128xf32>
    %max3A_586 = arith.maximumf %min3A_569, %slice3A_584 : vector<512x128xf32>
    %min3A_587 = arith.minimumf %min3A_568, %max3A_586 : vector<512x128xf32>
    %min3A_588 = arith.minimumf %min3A_569, %slice3A_584 : vector<512x128xf32>
    %jit3A_589 = arith.constant 52 : i32
    %broadcast_in_dim3A_590 = vector.broadcast %jit3A_589 : i32 to vector<512x128xi32>
    %select_n3A_591 = arith.select %lt3A_585, %broadcast_in_dim3A_590, %select_n3A_572 : vector<512x128xi1>, vector<512x128xi32>
    %slice3A_592 = vector.extract_strided_slice %add3A_583 {offsets = [0, 128], sizes = [512, 128], strides = [1, 1]} : vector<512x512xf32> to vector<512x128xf32>
    %lt3A_593 = arith.cmpf olt, %slice3A_592, %min3A_588 : vector<512x128xf32>
    %max3A_594 = arith.maximumf %min3A_588, %slice3A_592 : vector<512x128xf32>
    %min3A_595 = arith.minimumf %min3A_587, %max3A_594 : vector<512x128xf32>
    %min3A_596 = arith.minimumf %min3A_588, %slice3A_592 : vector<512x128xf32>
    %jit3A_597 = arith.constant 53 : i32
    %broadcast_in_dim3A_598 = vector.broadcast %jit3A_597 : i32 to vector<512x128xi32>
    %select_n3A_599 = arith.select %lt3A_593, %broadcast_in_dim3A_598, %select_n3A_591 : vector<512x128xi1>, vector<512x128xi32>
    %slice3A_600 = vector.extract_strided_slice %add3A_583 {offsets = [0, 256], sizes = [512, 128], strides = [1, 1]} : vector<512x512xf32> to vector<512x128xf32>
    %lt3A_601 = arith.cmpf olt, %slice3A_600, %min3A_596 : vector<512x128xf32>
    %max3A_602 = arith.maximumf %min3A_596, %slice3A_600 : vector<512x128xf32>
    %min3A_603 = arith.minimumf %min3A_595, %max3A_602 : vector<512x128xf32>
    %min3A_604 = arith.minimumf %min3A_596, %slice3A_600 : vector<512x128xf32>
    %jit3A_605 = arith.constant 54 : i32
    %broadcast_in_dim3A_606 = vector.broadcast %jit3A_605 : i32 to vector<512x128xi32>
    %select_n3A_607 = arith.select %lt3A_601, %broadcast_in_dim3A_606, %select_n3A_599 : vector<512x128xi1>, vector<512x128xi32>
    %slice3A_608 = vector.extract_strided_slice %add3A_583 {offsets = [0, 384], sizes = [512, 128], strides = [1, 1]} : vector<512x512xf32> to vector<512x128xf32>
    %lt3A_609 = arith.cmpf olt, %slice3A_608, %min3A_604 : vector<512x128xf32>
    %max3A_610 = arith.maximumf %min3A_604, %slice3A_608 : vector<512x128xf32>
    %min3A_611 = arith.minimumf %min3A_603, %max3A_610 : vector<512x128xf32>
    %min3A_612 = arith.minimumf %min3A_604, %slice3A_608 : vector<512x128xf32>
    %jit3A_613 = arith.constant 55 : i32
    %broadcast_in_dim3A_614 = vector.broadcast %jit3A_613 : i32 to vector<512x128xi32>
    %select_n3A_615 = arith.select %lt3A_609, %broadcast_in_dim3A_614, %select_n3A_607 : vector<512x128xi1>, vector<512x128xi32>
    %slice3A_616 = vector.extract_strided_slice %convert_element_type3A_14 {offsets = [0, 7168], sizes = [33, 512], strides = [1, 1]} : vector<33x8192xbf16> to vector<33x512xbf16>
    %dot_general3A_617 = arith.constant dense<0.000000e+00> : vector<512x512xf32>
    %dot_general3A_618 = tpu.matmul %convert_element_type3A, %slice3A_616, %dot_general3A_617 {dimension_numbers = #tpu.dot_dimension_numbers<[1], [0], [0], [1], [0, 0, 1, 1], [], []>, transpose_lhs_hint = false} : vector<512x33xbf16>, vector<33x512xbf16>, vector<512x512xf32> -> vector<512x512xf32>
    %slice3A_619 = vector.extract_strided_slice %convert_element_type3A_17 {offsets = [0, 7168], sizes = [33, 512], strides = [1, 1]} : vector<33x8192xbf16> to vector<33x512xbf16>
    %dot_general3A_620 = arith.constant dense<0.000000e+00> : vector<512x512xf32>
    %dot_general3A_621 = tpu.matmul %convert_element_type3A, %slice3A_619, %dot_general3A_620 {dimension_numbers = #tpu.dot_dimension_numbers<[1], [0], [0], [1], [0, 0, 1, 1], [], []>, transpose_lhs_hint = false} : vector<512x33xbf16>, vector<33x512xbf16>, vector<512x512xf32> -> vector<512x512xf32>
    %slice3A_622 = vector.extract_strided_slice %convert_element_type3A_14 {offsets = [0, 7168], sizes = [33, 512], strides = [1, 1]} : vector<33x8192xbf16> to vector<33x512xbf16>
    %dot_general3A_623 = arith.constant dense<0.000000e+00> : vector<512x512xf32>
    %dot_general3A_624 = tpu.matmul %convert_element_type3A_13, %slice3A_622, %dot_general3A_623 {dimension_numbers = #tpu.dot_dimension_numbers<[1], [0], [0], [1], [0, 0, 1, 1], [], []>, transpose_lhs_hint = false} : vector<512x33xbf16>, vector<33x512xbf16>, vector<512x512xf32> -> vector<512x512xf32>
    %add3A_625 = arith.addf %dot_general3A_621, %dot_general3A_624 : vector<512x512xf32>
    %add3A_626 = arith.addf %dot_general3A_618, %add3A_625 : vector<512x512xf32>
    %slice3A_627 = vector.extract_strided_slice %add3A_626 {offsets = [0, 0], sizes = [512, 128], strides = [1, 1]} : vector<512x512xf32> to vector<512x128xf32>
    %lt3A_628 = arith.cmpf olt, %slice3A_627, %min3A_612 : vector<512x128xf32>
    %max3A_629 = arith.maximumf %min3A_612, %slice3A_627 : vector<512x128xf32>
    %min3A_630 = arith.minimumf %min3A_611, %max3A_629 : vector<512x128xf32>
    %min3A_631 = arith.minimumf %min3A_612, %slice3A_627 : vector<512x128xf32>
    %jit3A_632 = arith.constant 56 : i32
    %broadcast_in_dim3A_633 = vector.broadcast %jit3A_632 : i32 to vector<512x128xi32>
    %select_n3A_634 = arith.select %lt3A_628, %broadcast_in_dim3A_633, %select_n3A_615 : vector<512x128xi1>, vector<512x128xi32>
    %slice3A_635 = vector.extract_strided_slice %add3A_626 {offsets = [0, 128], sizes = [512, 128], strides = [1, 1]} : vector<512x512xf32> to vector<512x128xf32>
    %lt3A_636 = arith.cmpf olt, %slice3A_635, %min3A_631 : vector<512x128xf32>
    %max3A_637 = arith.maximumf %min3A_631, %slice3A_635 : vector<512x128xf32>
    %min3A_638 = arith.minimumf %min3A_630, %max3A_637 : vector<512x128xf32>
    %min3A_639 = arith.minimumf %min3A_631, %slice3A_635 : vector<512x128xf32>
    %jit3A_640 = arith.constant 57 : i32
    %broadcast_in_dim3A_641 = vector.broadcast %jit3A_640 : i32 to vector<512x128xi32>
    %select_n3A_642 = arith.select %lt3A_636, %broadcast_in_dim3A_641, %select_n3A_634 : vector<512x128xi1>, vector<512x128xi32>
    %slice3A_643 = vector.extract_strided_slice %add3A_626 {offsets = [0, 256], sizes = [512, 128], strides = [1, 1]} : vector<512x512xf32> to vector<512x128xf32>
    %lt3A_644 = arith.cmpf olt, %slice3A_643, %min3A_639 : vector<512x128xf32>
    %max3A_645 = arith.maximumf %min3A_639, %slice3A_643 : vector<512x128xf32>
    %min3A_646 = arith.minimumf %min3A_638, %max3A_645 : vector<512x128xf32>
    %min3A_647 = arith.minimumf %min3A_639, %slice3A_643 : vector<512x128xf32>
    %jit3A_648 = arith.constant 58 : i32
    %broadcast_in_dim3A_649 = vector.broadcast %jit3A_648 : i32 to vector<512x128xi32>
    %select_n3A_650 = arith.select %lt3A_644, %broadcast_in_dim3A_649, %select_n3A_642 : vector<512x128xi1>, vector<512x128xi32>
    %slice3A_651 = vector.extract_strided_slice %add3A_626 {offsets = [0, 384], sizes = [512, 128], strides = [1, 1]} : vector<512x512xf32> to vector<512x128xf32>
    %lt3A_652 = arith.cmpf olt, %slice3A_651, %min3A_647 : vector<512x128xf32>
    %max3A_653 = arith.maximumf %min3A_647, %slice3A_651 : vector<512x128xf32>
    %min3A_654 = arith.minimumf %min3A_646, %max3A_653 : vector<512x128xf32>
    %min3A_655 = arith.minimumf %min3A_647, %slice3A_651 : vector<512x128xf32>
    %jit3A_656 = arith.constant 59 : i32
    %broadcast_in_dim3A_657 = vector.broadcast %jit3A_656 : i32 to vector<512x128xi32>
    %select_n3A_658 = arith.select %lt3A_652, %broadcast_in_dim3A_657, %select_n3A_650 : vector<512x128xi1>, vector<512x128xi32>
    %slice3A_659 = vector.extract_strided_slice %convert_element_type3A_14 {offsets = [0, 7680], sizes = [33, 512], strides = [1, 1]} : vector<33x8192xbf16> to vector<33x512xbf16>
    %dot_general3A_660 = arith.constant dense<0.000000e+00> : vector<512x512xf32>
    %dot_general3A_661 = tpu.matmul %convert_element_type3A, %slice3A_659, %dot_general3A_660 {dimension_numbers = #tpu.dot_dimension_numbers<[1], [0], [0], [1], [0, 0, 1, 1], [], []>, transpose_lhs_hint = false} : vector<512x33xbf16>, vector<33x512xbf16>, vector<512x512xf32> -> vector<512x512xf32>
    %slice3A_662 = vector.extract_strided_slice %convert_element_type3A_17 {offsets = [0, 7680], sizes = [33, 512], strides = [1, 1]} : vector<33x8192xbf16> to vector<33x512xbf16>
    %dot_general3A_663 = arith.constant dense<0.000000e+00> : vector<512x512xf32>
    %dot_general3A_664 = tpu.matmul %convert_element_type3A, %slice3A_662, %dot_general3A_663 {dimension_numbers = #tpu.dot_dimension_numbers<[1], [0], [0], [1], [0, 0, 1, 1], [], []>, transpose_lhs_hint = false} : vector<512x33xbf16>, vector<33x512xbf16>, vector<512x512xf32> -> vector<512x512xf32>
    %slice3A_665 = vector.extract_strided_slice %convert_element_type3A_14 {offsets = [0, 7680], sizes = [33, 512], strides = [1, 1]} : vector<33x8192xbf16> to vector<33x512xbf16>
    %dot_general3A_666 = arith.constant dense<0.000000e+00> : vector<512x512xf32>
    %dot_general3A_667 = tpu.matmul %convert_element_type3A_13, %slice3A_665, %dot_general3A_666 {dimension_numbers = #tpu.dot_dimension_numbers<[1], [0], [0], [1], [0, 0, 1, 1], [], []>, transpose_lhs_hint = false} : vector<512x33xbf16>, vector<33x512xbf16>, vector<512x512xf32> -> vector<512x512xf32>
    %add3A_668 = arith.addf %dot_general3A_664, %dot_general3A_667 : vector<512x512xf32>
    %add3A_669 = arith.addf %dot_general3A_661, %add3A_668 : vector<512x512xf32>
    %slice3A_670 = vector.extract_strided_slice %add3A_669 {offsets = [0, 0], sizes = [512, 128], strides = [1, 1]} : vector<512x512xf32> to vector<512x128xf32>
    %lt3A_671 = arith.cmpf olt, %slice3A_670, %min3A_655 : vector<512x128xf32>
    %max3A_672 = arith.maximumf %min3A_655, %slice3A_670 : vector<512x128xf32>
    %min3A_673 = arith.minimumf %min3A_654, %max3A_672 : vector<512x128xf32>
    %min3A_674 = arith.minimumf %min3A_655, %slice3A_670 : vector<512x128xf32>
    %jit3A_675 = arith.constant 60 : i32
    %broadcast_in_dim3A_676 = vector.broadcast %jit3A_675 : i32 to vector<512x128xi32>
    %select_n3A_677 = arith.select %lt3A_671, %broadcast_in_dim3A_676, %select_n3A_658 : vector<512x128xi1>, vector<512x128xi32>
    %slice3A_678 = vector.extract_strided_slice %add3A_669 {offsets = [0, 128], sizes = [512, 128], strides = [1, 1]} : vector<512x512xf32> to vector<512x128xf32>
    %lt3A_679 = arith.cmpf olt, %slice3A_678, %min3A_674 : vector<512x128xf32>
    %max3A_680 = arith.maximumf %min3A_674, %slice3A_678 : vector<512x128xf32>
    %min3A_681 = arith.minimumf %min3A_673, %max3A_680 : vector<512x128xf32>
    %min3A_682 = arith.minimumf %min3A_674, %slice3A_678 : vector<512x128xf32>
    %jit3A_683 = arith.constant 61 : i32
    %broadcast_in_dim3A_684 = vector.broadcast %jit3A_683 : i32 to vector<512x128xi32>
    %select_n3A_685 = arith.select %lt3A_679, %broadcast_in_dim3A_684, %select_n3A_677 : vector<512x128xi1>, vector<512x128xi32>
    %slice3A_686 = vector.extract_strided_slice %add3A_669 {offsets = [0, 256], sizes = [512, 128], strides = [1, 1]} : vector<512x512xf32> to vector<512x128xf32>
    %lt3A_687 = arith.cmpf olt, %slice3A_686, %min3A_682 : vector<512x128xf32>
    %max3A_688 = arith.maximumf %min3A_682, %slice3A_686 : vector<512x128xf32>
    %min3A_689 = arith.minimumf %min3A_681, %max3A_688 : vector<512x128xf32>
    %min3A_690 = arith.minimumf %min3A_682, %slice3A_686 : vector<512x128xf32>
    %jit3A_691 = arith.constant 62 : i32
    %broadcast_in_dim3A_692 = vector.broadcast %jit3A_691 : i32 to vector<512x128xi32>
    %select_n3A_693 = arith.select %lt3A_687, %broadcast_in_dim3A_692, %select_n3A_685 : vector<512x128xi1>, vector<512x128xi32>
    %slice3A_694 = vector.extract_strided_slice %add3A_669 {offsets = [0, 384], sizes = [512, 128], strides = [1, 1]} : vector<512x512xf32> to vector<512x128xf32>
    %lt3A_695 = arith.cmpf olt, %slice3A_694, %min3A_690 : vector<512x128xf32>
    %max3A_696 = arith.maximumf %min3A_690, %slice3A_694 : vector<512x128xf32>
    %min3A_697 = arith.minimumf %min3A_689, %max3A_696 : vector<512x128xf32>
    %min3A_698 = arith.minimumf %min3A_690, %slice3A_694 : vector<512x128xf32>
    %jit3A_699 = arith.constant 63 : i32
    %broadcast_in_dim3A_700 = vector.broadcast %jit3A_699 : i32 to vector<512x128xi32>
    %select_n3A_701 = arith.select %lt3A_695, %broadcast_in_dim3A_700, %select_n3A_693 : vector<512x128xi1>, vector<512x128xi32>
    %reduce_min3A = arith.constant dense<0x7F800000> : vector<512xf32>
    %reduce_min3A_702 = vector.multi_reduction <minimumf>, %min3A_698, %reduce_min3A [1] : vector<512x128xf32> to vector<512xf32>
    %broadcast_in_dim3A_703 = vector.shape_cast %reduce_min3A_702 : vector<512xf32> to vector<512x1xf32>
    %eq3A = vector.broadcast %broadcast_in_dim3A_703 : vector<512x1xf32> to vector<512x128xf32>
    %eq3A_704 = arith.cmpf oeq, %min3A_698, %eq3A : vector<512x128xf32>
    %select_n3A_705 = arith.select %eq3A_704, %min3A_697, %min3A_698 : vector<512x128xi1>, vector<512x128xf32>
    %reduce_min3A_706 = arith.constant dense<0x7F800000> : vector<512xf32>
    %reduce_min3A_707 = vector.multi_reduction <minimumf>, %select_n3A_705, %reduce_min3A_706 [1] : vector<512x128xf32> to vector<512xf32>
    %broadcast_in_dim3A_708 = vector.shape_cast %reduce_min3A_707 : vector<512xf32> to vector<512x1xf32>
    %convert_element_type3A_709 = arith.extui %eq3A_704 : vector<512x128xi1> to vector<512x128xi32>
    %convert_element_type3A_710 = arith.sitofp %convert_element_type3A_709 : vector<512x128xi32> to vector<512x128xf32>
    %reduce_sum3A_711 = arith.constant dense<0.000000e+00> : vector<512xf32>
    %reduce_sum3A_712 = vector.multi_reduction <add>, %convert_element_type3A_710, %reduce_sum3A_711 [1] : vector<512x128xf32> to vector<512xf32>
    %broadcast_in_dim3A_713 = vector.shape_cast %reduce_sum3A_712 : vector<512xf32> to vector<512x1xf32>
    %gt3A = arith.constant 1.000000e+00 : f32
    %gt3A_714 = vector.broadcast %gt3A : f32 to vector<512x1xf32>
    %gt3A_715 = arith.cmpf ogt, %broadcast_in_dim3A_713, %gt3A_714 : vector<512x1xf32>
    %select_n3A_716 = arith.select %gt3A_715, %broadcast_in_dim3A_703, %broadcast_in_dim3A_708 : vector<512x1xi1>, vector<512x1xf32>
    %iota3A = tpu.iota {dimensions = array<i32: 1>} : vector<512x128xi32>
    %jit3A_717 = arith.constant 1073741824 : i32
    %broadcast_in_dim3A_718 = vector.broadcast %jit3A_717 : i32 to vector<512x128xi32>
    %select_n3A_719 = arith.select %eq3A_704, %iota3A, %broadcast_in_dim3A_718 : vector<512x128xi1>, vector<512x128xi32>
    %reduce_min3A_720 = arith.constant dense<2147483647> : vector<512xi32>
    %reduce_min3A_721 = vector.multi_reduction <minsi>, %select_n3A_719, %reduce_min3A_720 [1] : vector<512x128xi32> to vector<512xi32>
    %broadcast_in_dim3A_722 = vector.shape_cast %reduce_min3A_721 : vector<512xi32> to vector<512x1xi32>
    %jit3A_723 = arith.constant 1073741824 : i32
    %broadcast_in_dim3A_724 = vector.broadcast %jit3A_723 : i32 to vector<512x128xi32>
    %select_n3A_725 = arith.select %eq3A_704, %select_n3A_701, %broadcast_in_dim3A_724 : vector<512x128xi1>, vector<512x128xi32>
    %reduce_min3A_726 = arith.constant dense<2147483647> : vector<512xi32>
    %reduce_min3A_727 = vector.multi_reduction <minsi>, %select_n3A_725, %reduce_min3A_726 [1] : vector<512x128xi32> to vector<512xi32>
    %broadcast_in_dim3A_728 = vector.shape_cast %reduce_min3A_727 : vector<512xi32> to vector<512x1xi32>
    %mul3A_729 = arith.constant 128 : i32
    %mul3A_730 = vector.broadcast %mul3A_729 : i32 to vector<512x1xi32>
    %mul3A_731 = arith.muli %broadcast_in_dim3A_728, %mul3A_730 : vector<512x1xi32>
    %add3A_732 = arith.addi %mul3A_731, %broadcast_in_dim3A_722 : vector<512x1xi32>
    %swap3A = arith.constant 0 : index
    %swap3A_733 = arith.constant 0 : index
    %swap3A_734 = vector.load %arg3[%swap3A, %swap3A_733] : memref<512x1xi32, #tpu.memory_space<vmem>>, vector<512x1xi32>
    tpu.vector_store %arg3[%swap3A, %swap3A_733], %add3A_732 {strides = array<i32>} : memref<512x1xi32, #tpu.memory_space<vmem>>, vector<512x1xi32>,
    %sub3A_735 = arith.subf %select_n3A_716, %broadcast_in_dim3A_703 : vector<512x1xf32>
    %iota3A_736 = tpu.iota {dimensions = array<i32: 0>} : vector<512x1xi32>
    %reduce_min3A_737 = arith.constant dense<0x7F800000> : vector<1xf32>
    %reduce_min3A_738 = vector.multi_reduction <minimumf>, %sub3A_735, %reduce_min3A_737 [0] : vector<512x1xf32> to vector<1xf32>
    %broadcast_in_dim3A_739 = vector.shape_cast %reduce_min3A_738 : vector<1xf32> to vector<1x1xf32>
    %eq3A_740 = vector.broadcast %broadcast_in_dim3A_739 : vector<1x1xf32> to vector<512x1xf32>
    %eq3A_741 = arith.cmpf oeq, %sub3A_735, %eq3A_740 : vector<512x1xf32>
    %jit3A_742 = arith.constant 1073741824 : i32
    %broadcast_in_dim3A_743 = vector.broadcast %jit3A_742 : i32 to vector<512x1xi32>
    %select_n3A_744 = arith.select %eq3A_741, %iota3A_736, %broadcast_in_dim3A_743 : vector<512x1xi1>, vector<512x1xi32>
    %reduce_min3A_745 = arith.constant dense<2147483647> : vector<1xi32>
    %reduce_min3A_746 = vector.multi_reduction <minsi>, %select_n3A_744, %reduce_min3A_745 [0] : vector<512x1xi32> to vector<1xi32>
    %broadcast_in_dim3A_747 = vector.shape_cast %reduce_min3A_746 : vector<1xi32> to vector<1x1xi32>
    %mul3A_748 = arith.constant 512 : i32
    %mul3A_749 = arith.muli %arg0, %mul3A_748 : i32
    %add3A_750 = vector.broadcast %mul3A_749 : i32 to vector<1x1xi32>
    %add3A_751 = arith.addi %broadcast_in_dim3A_747, %add3A_750 : vector<1x1xi32>
    %swap3A_752 = arith.constant 0 : index
    %swap3A_753 = arith.constant 0 : index
    %swap3A_754 = vector.load %arg4[%swap3A_752, %swap3A_753] : memref<8x1xi32, #tpu.memory_space<vmem>>, vector<1x1xi32>
    tpu.vector_store %arg4[%swap3A_752, %swap3A_753], %add3A_751 {strides = array<i32>} : memref<8x1xi32, #tpu.memory_space<vmem>>, vector<1x1xi32>,
    %eq3A_755 = vector.broadcast %broadcast_in_dim3A_747 : vector<1x1xi32> to vector<512x1xi32>
    %eq3A_756 = arith.cmpi eq, %iota3A_736, %eq3A_755 : vector<512x1xi32>
    %jit3A_757 = arith.constant 0x7F800000 : f32
    %broadcast_in_dim3A_758 = vector.broadcast %jit3A_757 : f32 to vector<512x1xf32>
    %select_n3A_759 = arith.select %eq3A_756, %broadcast_in_dim3A_758, %sub3A_735 : vector<512x1xi1>, vector<512x1xf32>
    %reduce_min3A_760 = arith.constant dense<0x7F800000> : vector<1xf32>
    %reduce_min3A_761 = vector.multi_reduction <minimumf>, %select_n3A_759, %reduce_min3A_760 [0] : vector<512x1xf32> to vector<1xf32>
    %broadcast_in_dim3A_762 = vector.shape_cast %reduce_min3A_761 : vector<1xf32> to vector<1x1xf32>
    %eq3A_763 = vector.broadcast %broadcast_in_dim3A_762 : vector<1x1xf32> to vector<512x1xf32>
    %eq3A_764 = arith.cmpf oeq, %select_n3A_759, %eq3A_763 : vector<512x1xf32>
    %jit3A_765 = arith.constant 1073741824 : i32
    %broadcast_in_dim3A_766 = vector.broadcast %jit3A_765 : i32 to vector<512x1xi32>
    %select_n3A_767 = arith.select %eq3A_764, %iota3A_736, %broadcast_in_dim3A_766 : vector<512x1xi1>, vector<512x1xi32>
    %reduce_min3A_768 = arith.constant dense<2147483647> : vector<1xi32>
    %reduce_min3A_769 = vector.multi_reduction <minsi>, %select_n3A_767, %reduce_min3A_768 [0] : vector<512x1xi32> to vector<1xi32>
    %broadcast_in_dim3A_770 = vector.shape_cast %reduce_min3A_769 : vector<1xi32> to vector<1x1xi32>
    %mul3A_771 = arith.constant 512 : i32
    %mul3A_772 = arith.muli %arg0, %mul3A_771 : i32
    %add3A_773 = vector.broadcast %mul3A_772 : i32 to vector<1x1xi32>
    %add3A_774 = arith.addi %broadcast_in_dim3A_770, %add3A_773 : vector<1x1xi32>
    %swap3A_775 = arith.constant 1 : index
    %swap3A_776 = arith.constant 0 : index
    %swap3A_777 = vector.load %arg4[%swap3A_775, %swap3A_776] : memref<8x1xi32, #tpu.memory_space<vmem>>, vector<1x1xi32>
    tpu.vector_store %arg4[%swap3A_775, %swap3A_776], %add3A_774 {strides = array<i32>} : memref<8x1xi32, #tpu.memory_space<vmem>>, vector<1x1xi32>,
    %eq3A_778 = vector.broadcast %broadcast_in_dim3A_770 : vector<1x1xi32> to vector<512x1xi32>
    %eq3A_779 = arith.cmpi eq, %iota3A_736, %eq3A_778 : vector<512x1xi32>
    %jit3A_780 = arith.constant 0x7F800000 : f32
    %broadcast_in_dim3A_781 = vector.broadcast %jit3A_780 : f32 to vector<512x1xf32>
    %select_n3A_782 = arith.select %eq3A_779, %broadcast_in_dim3A_781, %select_n3A_759 : vector<512x1xi1>, vector<512x1xf32>
    %reduce_min3A_783 = arith.constant dense<0x7F800000> : vector<1xf32>
    %reduce_min3A_784 = vector.multi_reduction <minimumf>, %select_n3A_782, %reduce_min3A_783 [0] : vector<512x1xf32> to vector<1xf32>
    %broadcast_in_dim3A_785 = vector.shape_cast %reduce_min3A_784 : vector<1xf32> to vector<1x1xf32>
    %eq3A_786 = vector.broadcast %broadcast_in_dim3A_785 : vector<1x1xf32> to vector<512x1xf32>
    %eq3A_787 = arith.cmpf oeq, %select_n3A_782, %eq3A_786 : vector<512x1xf32>
    %jit3A_788 = arith.constant 1073741824 : i32
    %broadcast_in_dim3A_789 = vector.broadcast %jit3A_788 : i32 to vector<512x1xi32>
    %select_n3A_790 = arith.select %eq3A_787, %iota3A_736, %broadcast_in_dim3A_789 : vector<512x1xi1>, vector<512x1xi32>
    %reduce_min3A_791 = arith.constant dense<2147483647> : vector<1xi32>
    %reduce_min3A_792 = vector.multi_reduction <minsi>, %select_n3A_790, %reduce_min3A_791 [0] : vector<512x1xi32> to vector<1xi32>
    %broadcast_in_dim3A_793 = vector.shape_cast %reduce_min3A_792 : vector<1xi32> to vector<1x1xi32>
    %mul3A_794 = arith.constant 512 : i32
    %mul3A_795 = arith.muli %arg0, %mul3A_794 : i32
    %add3A_796 = vector.broadcast %mul3A_795 : i32 to vector<1x1xi32>
    %add3A_797 = arith.addi %broadcast_in_dim3A_793, %add3A_796 : vector<1x1xi32>
    %swap3A_798 = arith.constant 2 : index
    %swap3A_799 = arith.constant 0 : index
    %swap3A_800 = vector.load %arg4[%swap3A_798, %swap3A_799] : memref<8x1xi32, #tpu.memory_space<vmem>>, vector<1x1xi32>
    tpu.vector_store %arg4[%swap3A_798, %swap3A_799], %add3A_797 {strides = array<i32>} : memref<8x1xi32, #tpu.memory_space<vmem>>, vector<1x1xi32>,
    %eq3A_801 = vector.broadcast %broadcast_in_dim3A_793 : vector<1x1xi32> to vector<512x1xi32>
    %eq3A_802 = arith.cmpi eq, %iota3A_736, %eq3A_801 : vector<512x1xi32>
    %jit3A_803 = arith.constant 0x7F800000 : f32
    %broadcast_in_dim3A_804 = vector.broadcast %jit3A_803 : f32 to vector<512x1xf32>
    %select_n3A_805 = arith.select %eq3A_802, %broadcast_in_dim3A_804, %select_n3A_782 : vector<512x1xi1>, vector<512x1xf32>
    %reduce_min3A_806 = arith.constant dense<0x7F800000> : vector<1xf32>
    %reduce_min3A_807 = vector.multi_reduction <minimumf>, %select_n3A_805, %reduce_min3A_806 [0] : vector<512x1xf32> to vector<1xf32>
    %broadcast_in_dim3A_808 = vector.shape_cast %reduce_min3A_807 : vector<1xf32> to vector<1x1xf32>
    %eq3A_809 = vector.broadcast %broadcast_in_dim3A_808 : vector<1x1xf32> to vector<512x1xf32>
    %eq3A_810 = arith.cmpf oeq, %select_n3A_805, %eq3A_809 : vector<512x1xf32>
    %jit3A_811 = arith.constant 1073741824 : i32
    %broadcast_in_dim3A_812 = vector.broadcast %jit3A_811 : i32 to vector<512x1xi32>
    %select_n3A_813 = arith.select %eq3A_810, %iota3A_736, %broadcast_in_dim3A_812 : vector<512x1xi1>, vector<512x1xi32>
    %reduce_min3A_814 = arith.constant dense<2147483647> : vector<1xi32>
    %reduce_min3A_815 = vector.multi_reduction <minsi>, %select_n3A_813, %reduce_min3A_814 [0] : vector<512x1xi32> to vector<1xi32>
    %broadcast_in_dim3A_816 = vector.shape_cast %reduce_min3A_815 : vector<1xi32> to vector<1x1xi32>
    %mul3A_817 = arith.constant 512 : i32
    %mul3A_818 = arith.muli %arg0, %mul3A_817 : i32
    %add3A_819 = vector.broadcast %mul3A_818 : i32 to vector<1x1xi32>
    %add3A_820 = arith.addi %broadcast_in_dim3A_816, %add3A_819 : vector<1x1xi32>
    %swap3A_821 = arith.constant 3 : index
    %swap3A_822 = arith.constant 0 : index
    %swap3A_823 = vector.load %arg4[%swap3A_821, %swap3A_822] : memref<8x1xi32, #tpu.memory_space<vmem>>, vector<1x1xi32>
    tpu.vector_store %arg4[%swap3A_821, %swap3A_822], %add3A_820 {strides = array<i32>} : memref<8x1xi32, #tpu.memory_space<vmem>>, vector<1x1xi32>,
    %eq3A_824 = vector.broadcast %broadcast_in_dim3A_816 : vector<1x1xi32> to vector<512x1xi32>
    %eq3A_825 = arith.cmpi eq, %iota3A_736, %eq3A_824 : vector<512x1xi32>
    %jit3A_826 = arith.constant 0x7F800000 : f32
    %broadcast_in_dim3A_827 = vector.broadcast %jit3A_826 : f32 to vector<512x1xf32>
    %select_n3A_828 = arith.select %eq3A_825, %broadcast_in_dim3A_827, %select_n3A_805 : vector<512x1xi1>, vector<512x1xf32>
    %reduce_min3A_829 = arith.constant dense<0x7F800000> : vector<1xf32>
    %reduce_min3A_830 = vector.multi_reduction <minimumf>, %select_n3A_828, %reduce_min3A_829 [0] : vector<512x1xf32> to vector<1xf32>
    %broadcast_in_dim3A_831 = vector.shape_cast %reduce_min3A_830 : vector<1xf32> to vector<1x1xf32>
    %eq3A_832 = vector.broadcast %broadcast_in_dim3A_831 : vector<1x1xf32> to vector<512x1xf32>
    %eq3A_833 = arith.cmpf oeq, %select_n3A_828, %eq3A_832 : vector<512x1xf32>
    %jit3A_834 = arith.constant 1073741824 : i32
    %broadcast_in_dim3A_835 = vector.broadcast %jit3A_834 : i32 to vector<512x1xi32>
    %select_n3A_836 = arith.select %eq3A_833, %iota3A_736, %broadcast_in_dim3A_835 : vector<512x1xi1>, vector<512x1xi32>
    %reduce_min3A_837 = arith.constant dense<2147483647> : vector<1xi32>
    %reduce_min3A_838 = vector.multi_reduction <minsi>, %select_n3A_836, %reduce_min3A_837 [0] : vector<512x1xi32> to vector<1xi32>
    %broadcast_in_dim3A_839 = vector.shape_cast %reduce_min3A_838 : vector<1xi32> to vector<1x1xi32>
    %mul3A_840 = arith.constant 512 : i32
    %mul3A_841 = arith.muli %arg0, %mul3A_840 : i32
    %add3A_842 = vector.broadcast %mul3A_841 : i32 to vector<1x1xi32>
    %add3A_843 = arith.addi %broadcast_in_dim3A_839, %add3A_842 : vector<1x1xi32>
    %swap3A_844 = arith.constant 4 : index
    %swap3A_845 = arith.constant 0 : index
    %swap3A_846 = vector.load %arg4[%swap3A_844, %swap3A_845] : memref<8x1xi32, #tpu.memory_space<vmem>>, vector<1x1xi32>
    tpu.vector_store %arg4[%swap3A_844, %swap3A_845], %add3A_843 {strides = array<i32>} : memref<8x1xi32, #tpu.memory_space<vmem>>, vector<1x1xi32>,
    %eq3A_847 = vector.broadcast %broadcast_in_dim3A_839 : vector<1x1xi32> to vector<512x1xi32>
    %eq3A_848 = arith.cmpi eq, %iota3A_736, %eq3A_847 : vector<512x1xi32>
    %jit3A_849 = arith.constant 0x7F800000 : f32
    %broadcast_in_dim3A_850 = vector.broadcast %jit3A_849 : f32 to vector<512x1xf32>
    %select_n3A_851 = arith.select %eq3A_848, %broadcast_in_dim3A_850, %select_n3A_828 : vector<512x1xi1>, vector<512x1xf32>
    %reduce_min3A_852 = arith.constant dense<0x7F800000> : vector<1xf32>
    %reduce_min3A_853 = vector.multi_reduction <minimumf>, %select_n3A_851, %reduce_min3A_852 [0] : vector<512x1xf32> to vector<1xf32>
    %broadcast_in_dim3A_854 = vector.shape_cast %reduce_min3A_853 : vector<1xf32> to vector<1x1xf32>
    %eq3A_855 = vector.broadcast %broadcast_in_dim3A_854 : vector<1x1xf32> to vector<512x1xf32>
    %eq3A_856 = arith.cmpf oeq, %select_n3A_851, %eq3A_855 : vector<512x1xf32>
    %jit3A_857 = arith.constant 1073741824 : i32
    %broadcast_in_dim3A_858 = vector.broadcast %jit3A_857 : i32 to vector<512x1xi32>
    %select_n3A_859 = arith.select %eq3A_856, %iota3A_736, %broadcast_in_dim3A_858 : vector<512x1xi1>, vector<512x1xi32>
    %reduce_min3A_860 = arith.constant dense<2147483647> : vector<1xi32>
    %reduce_min3A_861 = vector.multi_reduction <minsi>, %select_n3A_859, %reduce_min3A_860 [0] : vector<512x1xi32> to vector<1xi32>
    %broadcast_in_dim3A_862 = vector.shape_cast %reduce_min3A_861 : vector<1xi32> to vector<1x1xi32>
    %mul3A_863 = arith.constant 512 : i32
    %mul3A_864 = arith.muli %arg0, %mul3A_863 : i32
    %add3A_865 = vector.broadcast %mul3A_864 : i32 to vector<1x1xi32>
    %add3A_866 = arith.addi %broadcast_in_dim3A_862, %add3A_865 : vector<1x1xi32>
    %swap3A_867 = arith.constant 5 : index
    %swap3A_868 = arith.constant 0 : index
    %swap3A_869 = vector.load %arg4[%swap3A_867, %swap3A_868] : memref<8x1xi32, #tpu.memory_space<vmem>>, vector<1x1xi32>
    tpu.vector_store %arg4[%swap3A_867, %swap3A_868], %add3A_866 {strides = array<i32>} : memref<8x1xi32, #tpu.memory_space<vmem>>, vector<1x1xi32>,
    %eq3A_870 = vector.broadcast %broadcast_in_dim3A_862 : vector<1x1xi32> to vector<512x1xi32>
    %eq3A_871 = arith.cmpi eq, %iota3A_736, %eq3A_870 : vector<512x1xi32>
    %jit3A_872 = arith.constant 0x7F800000 : f32
    %broadcast_in_dim3A_873 = vector.broadcast %jit3A_872 : f32 to vector<512x1xf32>
    %select_n3A_874 = arith.select %eq3A_871, %broadcast_in_dim3A_873, %select_n3A_851 : vector<512x1xi1>, vector<512x1xf32>
    %reduce_min3A_875 = arith.constant dense<0x7F800000> : vector<1xf32>
    %reduce_min3A_876 = vector.multi_reduction <minimumf>, %select_n3A_874, %reduce_min3A_875 [0] : vector<512x1xf32> to vector<1xf32>
    %broadcast_in_dim3A_877 = vector.shape_cast %reduce_min3A_876 : vector<1xf32> to vector<1x1xf32>
    %eq3A_878 = vector.broadcast %broadcast_in_dim3A_877 : vector<1x1xf32> to vector<512x1xf32>
    %eq3A_879 = arith.cmpf oeq, %select_n3A_874, %eq3A_878 : vector<512x1xf32>
    %jit3A_880 = arith.constant 1073741824 : i32
    %broadcast_in_dim3A_881 = vector.broadcast %jit3A_880 : i32 to vector<512x1xi32>
    %select_n3A_882 = arith.select %eq3A_879, %iota3A_736, %broadcast_in_dim3A_881 : vector<512x1xi1>, vector<512x1xi32>
    %reduce_min3A_883 = arith.constant dense<2147483647> : vector<1xi32>
    %reduce_min3A_884 = vector.multi_reduction <minsi>, %select_n3A_882, %reduce_min3A_883 [0] : vector<512x1xi32> to vector<1xi32>
    %broadcast_in_dim3A_885 = vector.shape_cast %reduce_min3A_884 : vector<1xi32> to vector<1x1xi32>
    %mul3A_886 = arith.constant 512 : i32
    %mul3A_887 = arith.muli %arg0, %mul3A_886 : i32
    %add3A_888 = vector.broadcast %mul3A_887 : i32 to vector<1x1xi32>
    %add3A_889 = arith.addi %broadcast_in_dim3A_885, %add3A_888 : vector<1x1xi32>
    %swap3A_890 = arith.constant 6 : index
    %swap3A_891 = arith.constant 0 : index
    %swap3A_892 = vector.load %arg4[%swap3A_890, %swap3A_891] : memref<8x1xi32, #tpu.memory_space<vmem>>, vector<1x1xi32>
    tpu.vector_store %arg4[%swap3A_890, %swap3A_891], %add3A_889 {strides = array<i32>} : memref<8x1xi32, #tpu.memory_space<vmem>>, vector<1x1xi32>,
    %eq3A_893 = vector.broadcast %broadcast_in_dim3A_885 : vector<1x1xi32> to vector<512x1xi32>
    %eq3A_894 = arith.cmpi eq, %iota3A_736, %eq3A_893 : vector<512x1xi32>
    %jit3A_895 = arith.constant 0x7F800000 : f32
    %broadcast_in_dim3A_896 = vector.broadcast %jit3A_895 : f32 to vector<512x1xf32>
    %select_n3A_897 = arith.select %eq3A_894, %broadcast_in_dim3A_896, %select_n3A_874 : vector<512x1xi1>, vector<512x1xf32>
    %reduce_min3A_898 = arith.constant dense<0x7F800000> : vector<1xf32>
    %reduce_min3A_899 = vector.multi_reduction <minimumf>, %select_n3A_897, %reduce_min3A_898 [0] : vector<512x1xf32> to vector<1xf32>
    %broadcast_in_dim3A_900 = vector.shape_cast %reduce_min3A_899 : vector<1xf32> to vector<1x1xf32>
    %eq3A_901 = vector.broadcast %broadcast_in_dim3A_900 : vector<1x1xf32> to vector<512x1xf32>
    %eq3A_902 = arith.cmpf oeq, %select_n3A_897, %eq3A_901 : vector<512x1xf32>
    %jit3A_903 = arith.constant 1073741824 : i32
    %broadcast_in_dim3A_904 = vector.broadcast %jit3A_903 : i32 to vector<512x1xi32>
    %select_n3A_905 = arith.select %eq3A_902, %iota3A_736, %broadcast_in_dim3A_904 : vector<512x1xi1>, vector<512x1xi32>
    %reduce_min3A_906 = arith.constant dense<2147483647> : vector<1xi32>
    %reduce_min3A_907 = vector.multi_reduction <minsi>, %select_n3A_905, %reduce_min3A_906 [0] : vector<512x1xi32> to vector<1xi32>
    %broadcast_in_dim3A_908 = vector.shape_cast %reduce_min3A_907 : vector<1xi32> to vector<1x1xi32>
    %mul3A_909 = arith.constant 512 : i32
    %mul3A_910 = arith.muli %arg0, %mul3A_909 : i32
    %add3A_911 = vector.broadcast %mul3A_910 : i32 to vector<1x1xi32>
    %add3A_912 = arith.addi %broadcast_in_dim3A_908, %add3A_911 : vector<1x1xi32>
    %swap3A_913 = arith.constant 7 : index
    %swap3A_914 = arith.constant 0 : index
    %swap3A_915 = vector.load %arg4[%swap3A_913, %swap3A_914] : memref<8x1xi32, #tpu.memory_space<vmem>>, vector<1x1xi32>
    tpu.vector_store %arg4[%swap3A_913, %swap3A_914], %add3A_912 {strides = array<i32>} : memref<8x1xi32, #tpu.memory_space<vmem>>, vector<1x1xi32>,
    return
  }
  func.func @transform_0(%arg0: i32) -> (i32, i32) {
    %c0_i32 = arith.constant 0 : i32
    %c0_i32_0 = arith.constant 0 : i32
    return %arg0, %c0_i32 : i32, i32
  }
  func.func @transform_1(%arg0: i32) -> (i32, i32) {
    %c0_i32 = arith.constant 0 : i32
    %c0_i32_0 = arith.constant 0 : i32
    %c0_i32_1 = arith.constant 0 : i32
    return %c0_i32, %c0_i32_0 : i32, i32
  }
  func.func @transform_2(%arg0: i32) -> (i32, i32) {
    %c0_i32 = arith.constant 0 : i32
    %c0_i32_0 = arith.constant 0 : i32
    return %arg0, %c0_i32 : i32, i32
  }
  func.func @transform_3(%arg0: i32) -> (i32, i32) {
    %c0_i32 = arith.constant 0 : i32
    %c0_i32_0 = arith.constant 0 : i32
    return %arg0, %c0_i32 : i32, i32
  }
}

module attributes {stable_mosaic.version = 14 : i64} {
  func.func @_rescue_kernel(%arg0: i32, %arg1: i32, %arg2: memref<4096x32xf32, #tpu.memory_space<vmem>>, %arg3: memref<32x2048xf32, #tpu.memory_space<vmem>>, %arg4: memref<4096x1xi32, #tpu.memory_space<vmem>>, %arg5: memref<128x1xi32, #tpu.memory_space<vmem>>, %arg6: memref<4096x1xi32, #tpu.memory_space<vmem>>, %arg7: memref<128x32xf32, #tpu.memory_space<vmem>>, %arg8: memref<128x1xf32, #tpu.memory_space<vmem>>, %arg9: memref<128x1xi32, #tpu.memory_space<vmem>>) attributes {dimension_semantics = [#tpu.dimension_semantics<arbitrary>, #tpu.dimension_semantics<arbitrary>], iteration_bounds = array<i64: 1, 4>, scalar_prefetch = 0 : i64, scratch_operands = 3 : i64, tpu.core_type = #tpu.core_type<tc>, window_params = [{pipeline_mode = #tpu.pipeline_mode<synchronous>, transform_indices = @transform_0, window_bounds = array<i64: 4096, 32>}, {transform_indices = @transform_1, window_bounds = array<i64: 32, 2048>}, {pipeline_mode = #tpu.pipeline_mode<synchronous>, transform_indices = @transform_2, window_bounds = array<i64: 4096, 1>}, {transform_indices = @transform_3, window_bounds = array<i64: 128, 1>}, {pipeline_mode = #tpu.pipeline_mode<synchronous>, transform_indices = @transform_4, window_bounds = array<i64: 4096, 1>}]} {
    %eq3A = arith.constant 0 : i32
    %eq3A_0 = arith.cmpi eq, %arg1, %eq3A : i32
    %convert_element_type3A = arith.extui %eq3A_0 : i1 to i32
    %cond3A = arith.constant 0 : i32
    %cond3A_1 = arith.cmpi ne, %convert_element_type3A, %cond3A : i32
    scf.if %cond3A_1 {
      %get3A_251 = arith.constant 0 : index
      %get3A_252 = arith.constant 0 : index
      %get3A_253 = vector.load %arg5[%get3A_251, %get3A_252] : memref<128x1xi32, #tpu.memory_space<vmem>>, vector<128x1xi32>
      %iota3A_254 = tpu.iota {dimensions = array<i32: 1>} : vector<128x4096xi32>
      %eq3A_255 = vector.broadcast %get3A_253 : vector<128x1xi32> to vector<128x4096xi32>
      %eq3A_256 = arith.cmpi eq, %iota3A_254, %eq3A_255 : vector<128x4096xi32>
      %convert_element_type3A_257 = arith.extui %eq3A_256 : vector<128x4096xi1> to vector<128x4096xi32>
      %convert_element_type3A_258 = arith.sitofp %convert_element_type3A_257 : vector<128x4096xi32> to vector<128x4096xf32>
      %convert_element_type3A_259 = arith.truncf %convert_element_type3A_258 : vector<128x4096xf32> to vector<128x4096xbf16>
      %get3A_260 = arith.constant 0 : index
      %get3A_261 = arith.constant 0 : index
      %get3A_262 = vector.load %arg2[%get3A_260, %get3A_261] : memref<4096x32xf32, #tpu.memory_space<vmem>>, vector<4096x32xf32>
      %convert_element_type3A_263 = arith.truncf %get3A_262 : vector<4096x32xf32> to vector<4096x32xbf16>
      %convert_element_type3A_264 = arith.extf %convert_element_type3A_263 : vector<4096x32xbf16> to vector<4096x32xf32>
      %sub3A_265 = arith.subf %get3A_262, %convert_element_type3A_264 : vector<4096x32xf32>
      %convert_element_type3A_266 = arith.truncf %sub3A_265 : vector<4096x32xf32> to vector<4096x32xbf16>
      %convert_element_type3A_267 = arith.extf %convert_element_type3A_266 : vector<4096x32xbf16> to vector<4096x32xf32>
      %sub3A_268 = arith.subf %sub3A_265, %convert_element_type3A_267 : vector<4096x32xf32>
      %convert_element_type3A_269 = arith.truncf %sub3A_268 : vector<4096x32xf32> to vector<4096x32xbf16>
      %dot_general3A = arith.constant dense<0.000000e+00> : vector<128x32xf32>
      %dot_general3A_270 = tpu.matmul %convert_element_type3A_259, %convert_element_type3A_263, %dot_general3A {dimension_numbers = #tpu.dot_dimension_numbers<[1], [0], [0], [1], [0, 0, 1, 1], [], []>, transpose_lhs_hint = false} : vector<128x4096xbf16>, vector<4096x32xbf16>, vector<128x32xf32> -> vector<128x32xf32>
      %dot_general3A_271 = arith.constant dense<0.000000e+00> : vector<128x32xf32>
      %dot_general3A_272 = tpu.matmul %convert_element_type3A_259, %convert_element_type3A_266, %dot_general3A_271 {dimension_numbers = #tpu.dot_dimension_numbers<[1], [0], [0], [1], [0, 0, 1, 1], [], []>, transpose_lhs_hint = false} : vector<128x4096xbf16>, vector<4096x32xbf16>, vector<128x32xf32> -> vector<128x32xf32>
      %dot_general3A_273 = arith.constant dense<0.000000e+00> : vector<128x32xf32>
      %dot_general3A_274 = tpu.matmul %convert_element_type3A_259, %convert_element_type3A_269, %dot_general3A_273 {dimension_numbers = #tpu.dot_dimension_numbers<[1], [0], [0], [1], [0, 0, 1, 1], [], []>, transpose_lhs_hint = false} : vector<128x4096xbf16>, vector<4096x32xbf16>, vector<128x32xf32> -> vector<128x32xf32>
      %add3A_275 = arith.addf %dot_general3A_272, %dot_general3A_274 : vector<128x32xf32>
      %add3A_276 = arith.addf %dot_general3A_270, %add3A_275 : vector<128x32xf32>
      %swap3A = arith.constant 0 : index
      %swap3A_277 = arith.constant 0 : index
      %swap3A_278 = vector.load %arg7[%swap3A, %swap3A_277] : memref<128x32xf32, #tpu.memory_space<vmem>>, vector<128x32xf32>
      tpu.vector_store %arg7[%swap3A, %swap3A_277], %add3A_276 {strides = array<i32>} : memref<128x32xf32, #tpu.memory_space<vmem>>, vector<128x32xf32>,
    } else {
    }
    %get3A = arith.constant 0 : index
    %get3A_2 = arith.constant 0 : index
    %get3A_3 = vector.load %arg7[%get3A, %get3A_2] : memref<128x32xf32, #tpu.memory_space<vmem>>, vector<128x32xf32>
    %get3A_4 = arith.constant 0 : index
    %get3A_5 = arith.constant 0 : index
    %get3A_6 = vector.load %arg3[%get3A_4, %get3A_5] : memref<32x2048xf32, #tpu.memory_space<vmem>>, vector<32x2048xf32>
    %slice3A = vector.extract_strided_slice %get3A_3 {offsets = [0, 0], sizes = [128, 1], strides = [1, 1]} : vector<128x32xf32> to vector<128x1xf32>
    %slice3A_7 = vector.extract_strided_slice %get3A_6 {offsets = [0, 0], sizes = [1, 2048], strides = [1, 1]} : vector<32x2048xf32> to vector<1x2048xf32>
    %sub3A = vector.broadcast %slice3A : vector<128x1xf32> to vector<128x2048xf32>
    %sub3A_8 = vector.broadcast %slice3A_7 : vector<1x2048xf32> to vector<128x2048xf32>
    %sub3A_9 = arith.subf %sub3A, %sub3A_8 : vector<128x2048xf32>
    %mul3A = arith.mulf %sub3A_9, %sub3A_9 : vector<128x2048xf32>
    %slice3A_10 = vector.extract_strided_slice %get3A_3 {offsets = [0, 1], sizes = [128, 1], strides = [1, 1]} : vector<128x32xf32> to vector<128x1xf32>
    %slice3A_11 = vector.extract_strided_slice %get3A_6 {offsets = [1, 0], sizes = [1, 2048], strides = [1, 1]} : vector<32x2048xf32> to vector<1x2048xf32>
    %sub3A_12 = vector.broadcast %slice3A_10 : vector<128x1xf32> to vector<128x2048xf32>
    %sub3A_13 = vector.broadcast %slice3A_11 : vector<1x2048xf32> to vector<128x2048xf32>
    %sub3A_14 = arith.subf %sub3A_12, %sub3A_13 : vector<128x2048xf32>
    %mul3A_15 = arith.mulf %sub3A_14, %sub3A_14 : vector<128x2048xf32>
    %slice3A_16 = vector.extract_strided_slice %get3A_3 {offsets = [0, 2], sizes = [128, 1], strides = [1, 1]} : vector<128x32xf32> to vector<128x1xf32>
    %slice3A_17 = vector.extract_strided_slice %get3A_6 {offsets = [2, 0], sizes = [1, 2048], strides = [1, 1]} : vector<32x2048xf32> to vector<1x2048xf32>
    %sub3A_18 = vector.broadcast %slice3A_16 : vector<128x1xf32> to vector<128x2048xf32>
    %sub3A_19 = vector.broadcast %slice3A_17 : vector<1x2048xf32> to vector<128x2048xf32>
    %sub3A_20 = arith.subf %sub3A_18, %sub3A_19 : vector<128x2048xf32>
    %mul3A_21 = arith.mulf %sub3A_20, %sub3A_20 : vector<128x2048xf32>
    %slice3A_22 = vector.extract_strided_slice %get3A_3 {offsets = [0, 3], sizes = [128, 1], strides = [1, 1]} : vector<128x32xf32> to vector<128x1xf32>
    %slice3A_23 = vector.extract_strided_slice %get3A_6 {offsets = [3, 0], sizes = [1, 2048], strides = [1, 1]} : vector<32x2048xf32> to vector<1x2048xf32>
    %sub3A_24 = vector.broadcast %slice3A_22 : vector<128x1xf32> to vector<128x2048xf32>
    %sub3A_25 = vector.broadcast %slice3A_23 : vector<1x2048xf32> to vector<128x2048xf32>
    %sub3A_26 = arith.subf %sub3A_24, %sub3A_25 : vector<128x2048xf32>
    %mul3A_27 = arith.mulf %sub3A_26, %sub3A_26 : vector<128x2048xf32>
    %slice3A_28 = vector.extract_strided_slice %get3A_3 {offsets = [0, 4], sizes = [128, 1], strides = [1, 1]} : vector<128x32xf32> to vector<128x1xf32>
    %slice3A_29 = vector.extract_strided_slice %get3A_6 {offsets = [4, 0], sizes = [1, 2048], strides = [1, 1]} : vector<32x2048xf32> to vector<1x2048xf32>
    %sub3A_30 = vector.broadcast %slice3A_28 : vector<128x1xf32> to vector<128x2048xf32>
    %sub3A_31 = vector.broadcast %slice3A_29 : vector<1x2048xf32> to vector<128x2048xf32>
    %sub3A_32 = arith.subf %sub3A_30, %sub3A_31 : vector<128x2048xf32>
    %mul3A_33 = arith.mulf %sub3A_32, %sub3A_32 : vector<128x2048xf32>
    %slice3A_34 = vector.extract_strided_slice %get3A_3 {offsets = [0, 5], sizes = [128, 1], strides = [1, 1]} : vector<128x32xf32> to vector<128x1xf32>
    %slice3A_35 = vector.extract_strided_slice %get3A_6 {offsets = [5, 0], sizes = [1, 2048], strides = [1, 1]} : vector<32x2048xf32> to vector<1x2048xf32>
    %sub3A_36 = vector.broadcast %slice3A_34 : vector<128x1xf32> to vector<128x2048xf32>
    %sub3A_37 = vector.broadcast %slice3A_35 : vector<1x2048xf32> to vector<128x2048xf32>
    %sub3A_38 = arith.subf %sub3A_36, %sub3A_37 : vector<128x2048xf32>
    %mul3A_39 = arith.mulf %sub3A_38, %sub3A_38 : vector<128x2048xf32>
    %slice3A_40 = vector.extract_strided_slice %get3A_3 {offsets = [0, 6], sizes = [128, 1], strides = [1, 1]} : vector<128x32xf32> to vector<128x1xf32>
    %slice3A_41 = vector.extract_strided_slice %get3A_6 {offsets = [6, 0], sizes = [1, 2048], strides = [1, 1]} : vector<32x2048xf32> to vector<1x2048xf32>
    %sub3A_42 = vector.broadcast %slice3A_40 : vector<128x1xf32> to vector<128x2048xf32>
    %sub3A_43 = vector.broadcast %slice3A_41 : vector<1x2048xf32> to vector<128x2048xf32>
    %sub3A_44 = arith.subf %sub3A_42, %sub3A_43 : vector<128x2048xf32>
    %mul3A_45 = arith.mulf %sub3A_44, %sub3A_44 : vector<128x2048xf32>
    %slice3A_46 = vector.extract_strided_slice %get3A_3 {offsets = [0, 7], sizes = [128, 1], strides = [1, 1]} : vector<128x32xf32> to vector<128x1xf32>
    %slice3A_47 = vector.extract_strided_slice %get3A_6 {offsets = [7, 0], sizes = [1, 2048], strides = [1, 1]} : vector<32x2048xf32> to vector<1x2048xf32>
    %sub3A_48 = vector.broadcast %slice3A_46 : vector<128x1xf32> to vector<128x2048xf32>
    %sub3A_49 = vector.broadcast %slice3A_47 : vector<1x2048xf32> to vector<128x2048xf32>
    %sub3A_50 = arith.subf %sub3A_48, %sub3A_49 : vector<128x2048xf32>
    %mul3A_51 = arith.mulf %sub3A_50, %sub3A_50 : vector<128x2048xf32>
    %slice3A_52 = vector.extract_strided_slice %get3A_3 {offsets = [0, 8], sizes = [128, 1], strides = [1, 1]} : vector<128x32xf32> to vector<128x1xf32>
    %slice3A_53 = vector.extract_strided_slice %get3A_6 {offsets = [8, 0], sizes = [1, 2048], strides = [1, 1]} : vector<32x2048xf32> to vector<1x2048xf32>
    %sub3A_54 = vector.broadcast %slice3A_52 : vector<128x1xf32> to vector<128x2048xf32>
    %sub3A_55 = vector.broadcast %slice3A_53 : vector<1x2048xf32> to vector<128x2048xf32>
    %sub3A_56 = arith.subf %sub3A_54, %sub3A_55 : vector<128x2048xf32>
    %mul3A_57 = arith.mulf %sub3A_56, %sub3A_56 : vector<128x2048xf32>
    %slice3A_58 = vector.extract_strided_slice %get3A_3 {offsets = [0, 9], sizes = [128, 1], strides = [1, 1]} : vector<128x32xf32> to vector<128x1xf32>
    %slice3A_59 = vector.extract_strided_slice %get3A_6 {offsets = [9, 0], sizes = [1, 2048], strides = [1, 1]} : vector<32x2048xf32> to vector<1x2048xf32>
    %sub3A_60 = vector.broadcast %slice3A_58 : vector<128x1xf32> to vector<128x2048xf32>
    %sub3A_61 = vector.broadcast %slice3A_59 : vector<1x2048xf32> to vector<128x2048xf32>
    %sub3A_62 = arith.subf %sub3A_60, %sub3A_61 : vector<128x2048xf32>
    %mul3A_63 = arith.mulf %sub3A_62, %sub3A_62 : vector<128x2048xf32>
    %slice3A_64 = vector.extract_strided_slice %get3A_3 {offsets = [0, 10], sizes = [128, 1], strides = [1, 1]} : vector<128x32xf32> to vector<128x1xf32>
    %slice3A_65 = vector.extract_strided_slice %get3A_6 {offsets = [10, 0], sizes = [1, 2048], strides = [1, 1]} : vector<32x2048xf32> to vector<1x2048xf32>
    %sub3A_66 = vector.broadcast %slice3A_64 : vector<128x1xf32> to vector<128x2048xf32>
    %sub3A_67 = vector.broadcast %slice3A_65 : vector<1x2048xf32> to vector<128x2048xf32>
    %sub3A_68 = arith.subf %sub3A_66, %sub3A_67 : vector<128x2048xf32>
    %mul3A_69 = arith.mulf %sub3A_68, %sub3A_68 : vector<128x2048xf32>
    %slice3A_70 = vector.extract_strided_slice %get3A_3 {offsets = [0, 11], sizes = [128, 1], strides = [1, 1]} : vector<128x32xf32> to vector<128x1xf32>
    %slice3A_71 = vector.extract_strided_slice %get3A_6 {offsets = [11, 0], sizes = [1, 2048], strides = [1, 1]} : vector<32x2048xf32> to vector<1x2048xf32>
    %sub3A_72 = vector.broadcast %slice3A_70 : vector<128x1xf32> to vector<128x2048xf32>
    %sub3A_73 = vector.broadcast %slice3A_71 : vector<1x2048xf32> to vector<128x2048xf32>
    %sub3A_74 = arith.subf %sub3A_72, %sub3A_73 : vector<128x2048xf32>
    %mul3A_75 = arith.mulf %sub3A_74, %sub3A_74 : vector<128x2048xf32>
    %slice3A_76 = vector.extract_strided_slice %get3A_3 {offsets = [0, 12], sizes = [128, 1], strides = [1, 1]} : vector<128x32xf32> to vector<128x1xf32>
    %slice3A_77 = vector.extract_strided_slice %get3A_6 {offsets = [12, 0], sizes = [1, 2048], strides = [1, 1]} : vector<32x2048xf32> to vector<1x2048xf32>
    %sub3A_78 = vector.broadcast %slice3A_76 : vector<128x1xf32> to vector<128x2048xf32>
    %sub3A_79 = vector.broadcast %slice3A_77 : vector<1x2048xf32> to vector<128x2048xf32>
    %sub3A_80 = arith.subf %sub3A_78, %sub3A_79 : vector<128x2048xf32>
    %mul3A_81 = arith.mulf %sub3A_80, %sub3A_80 : vector<128x2048xf32>
    %slice3A_82 = vector.extract_strided_slice %get3A_3 {offsets = [0, 13], sizes = [128, 1], strides = [1, 1]} : vector<128x32xf32> to vector<128x1xf32>
    %slice3A_83 = vector.extract_strided_slice %get3A_6 {offsets = [13, 0], sizes = [1, 2048], strides = [1, 1]} : vector<32x2048xf32> to vector<1x2048xf32>
    %sub3A_84 = vector.broadcast %slice3A_82 : vector<128x1xf32> to vector<128x2048xf32>
    %sub3A_85 = vector.broadcast %slice3A_83 : vector<1x2048xf32> to vector<128x2048xf32>
    %sub3A_86 = arith.subf %sub3A_84, %sub3A_85 : vector<128x2048xf32>
    %mul3A_87 = arith.mulf %sub3A_86, %sub3A_86 : vector<128x2048xf32>
    %slice3A_88 = vector.extract_strided_slice %get3A_3 {offsets = [0, 14], sizes = [128, 1], strides = [1, 1]} : vector<128x32xf32> to vector<128x1xf32>
    %slice3A_89 = vector.extract_strided_slice %get3A_6 {offsets = [14, 0], sizes = [1, 2048], strides = [1, 1]} : vector<32x2048xf32> to vector<1x2048xf32>
    %sub3A_90 = vector.broadcast %slice3A_88 : vector<128x1xf32> to vector<128x2048xf32>
    %sub3A_91 = vector.broadcast %slice3A_89 : vector<1x2048xf32> to vector<128x2048xf32>
    %sub3A_92 = arith.subf %sub3A_90, %sub3A_91 : vector<128x2048xf32>
    %mul3A_93 = arith.mulf %sub3A_92, %sub3A_92 : vector<128x2048xf32>
    %slice3A_94 = vector.extract_strided_slice %get3A_3 {offsets = [0, 15], sizes = [128, 1], strides = [1, 1]} : vector<128x32xf32> to vector<128x1xf32>
    %slice3A_95 = vector.extract_strided_slice %get3A_6 {offsets = [15, 0], sizes = [1, 2048], strides = [1, 1]} : vector<32x2048xf32> to vector<1x2048xf32>
    %sub3A_96 = vector.broadcast %slice3A_94 : vector<128x1xf32> to vector<128x2048xf32>
    %sub3A_97 = vector.broadcast %slice3A_95 : vector<1x2048xf32> to vector<128x2048xf32>
    %sub3A_98 = arith.subf %sub3A_96, %sub3A_97 : vector<128x2048xf32>
    %mul3A_99 = arith.mulf %sub3A_98, %sub3A_98 : vector<128x2048xf32>
    %slice3A_100 = vector.extract_strided_slice %get3A_3 {offsets = [0, 16], sizes = [128, 1], strides = [1, 1]} : vector<128x32xf32> to vector<128x1xf32>
    %slice3A_101 = vector.extract_strided_slice %get3A_6 {offsets = [16, 0], sizes = [1, 2048], strides = [1, 1]} : vector<32x2048xf32> to vector<1x2048xf32>
    %sub3A_102 = vector.broadcast %slice3A_100 : vector<128x1xf32> to vector<128x2048xf32>
    %sub3A_103 = vector.broadcast %slice3A_101 : vector<1x2048xf32> to vector<128x2048xf32>
    %sub3A_104 = arith.subf %sub3A_102, %sub3A_103 : vector<128x2048xf32>
    %mul3A_105 = arith.mulf %sub3A_104, %sub3A_104 : vector<128x2048xf32>
    %slice3A_106 = vector.extract_strided_slice %get3A_3 {offsets = [0, 17], sizes = [128, 1], strides = [1, 1]} : vector<128x32xf32> to vector<128x1xf32>
    %slice3A_107 = vector.extract_strided_slice %get3A_6 {offsets = [17, 0], sizes = [1, 2048], strides = [1, 1]} : vector<32x2048xf32> to vector<1x2048xf32>
    %sub3A_108 = vector.broadcast %slice3A_106 : vector<128x1xf32> to vector<128x2048xf32>
    %sub3A_109 = vector.broadcast %slice3A_107 : vector<1x2048xf32> to vector<128x2048xf32>
    %sub3A_110 = arith.subf %sub3A_108, %sub3A_109 : vector<128x2048xf32>
    %mul3A_111 = arith.mulf %sub3A_110, %sub3A_110 : vector<128x2048xf32>
    %slice3A_112 = vector.extract_strided_slice %get3A_3 {offsets = [0, 18], sizes = [128, 1], strides = [1, 1]} : vector<128x32xf32> to vector<128x1xf32>
    %slice3A_113 = vector.extract_strided_slice %get3A_6 {offsets = [18, 0], sizes = [1, 2048], strides = [1, 1]} : vector<32x2048xf32> to vector<1x2048xf32>
    %sub3A_114 = vector.broadcast %slice3A_112 : vector<128x1xf32> to vector<128x2048xf32>
    %sub3A_115 = vector.broadcast %slice3A_113 : vector<1x2048xf32> to vector<128x2048xf32>
    %sub3A_116 = arith.subf %sub3A_114, %sub3A_115 : vector<128x2048xf32>
    %mul3A_117 = arith.mulf %sub3A_116, %sub3A_116 : vector<128x2048xf32>
    %slice3A_118 = vector.extract_strided_slice %get3A_3 {offsets = [0, 19], sizes = [128, 1], strides = [1, 1]} : vector<128x32xf32> to vector<128x1xf32>
    %slice3A_119 = vector.extract_strided_slice %get3A_6 {offsets = [19, 0], sizes = [1, 2048], strides = [1, 1]} : vector<32x2048xf32> to vector<1x2048xf32>
    %sub3A_120 = vector.broadcast %slice3A_118 : vector<128x1xf32> to vector<128x2048xf32>
    %sub3A_121 = vector.broadcast %slice3A_119 : vector<1x2048xf32> to vector<128x2048xf32>
    %sub3A_122 = arith.subf %sub3A_120, %sub3A_121 : vector<128x2048xf32>
    %mul3A_123 = arith.mulf %sub3A_122, %sub3A_122 : vector<128x2048xf32>
    %slice3A_124 = vector.extract_strided_slice %get3A_3 {offsets = [0, 20], sizes = [128, 1], strides = [1, 1]} : vector<128x32xf32> to vector<128x1xf32>
    %slice3A_125 = vector.extract_strided_slice %get3A_6 {offsets = [20, 0], sizes = [1, 2048], strides = [1, 1]} : vector<32x2048xf32> to vector<1x2048xf32>
    %sub3A_126 = vector.broadcast %slice3A_124 : vector<128x1xf32> to vector<128x2048xf32>
    %sub3A_127 = vector.broadcast %slice3A_125 : vector<1x2048xf32> to vector<128x2048xf32>
    %sub3A_128 = arith.subf %sub3A_126, %sub3A_127 : vector<128x2048xf32>
    %mul3A_129 = arith.mulf %sub3A_128, %sub3A_128 : vector<128x2048xf32>
    %slice3A_130 = vector.extract_strided_slice %get3A_3 {offsets = [0, 21], sizes = [128, 1], strides = [1, 1]} : vector<128x32xf32> to vector<128x1xf32>
    %slice3A_131 = vector.extract_strided_slice %get3A_6 {offsets = [21, 0], sizes = [1, 2048], strides = [1, 1]} : vector<32x2048xf32> to vector<1x2048xf32>
    %sub3A_132 = vector.broadcast %slice3A_130 : vector<128x1xf32> to vector<128x2048xf32>
    %sub3A_133 = vector.broadcast %slice3A_131 : vector<1x2048xf32> to vector<128x2048xf32>
    %sub3A_134 = arith.subf %sub3A_132, %sub3A_133 : vector<128x2048xf32>
    %mul3A_135 = arith.mulf %sub3A_134, %sub3A_134 : vector<128x2048xf32>
    %slice3A_136 = vector.extract_strided_slice %get3A_3 {offsets = [0, 22], sizes = [128, 1], strides = [1, 1]} : vector<128x32xf32> to vector<128x1xf32>
    %slice3A_137 = vector.extract_strided_slice %get3A_6 {offsets = [22, 0], sizes = [1, 2048], strides = [1, 1]} : vector<32x2048xf32> to vector<1x2048xf32>
    %sub3A_138 = vector.broadcast %slice3A_136 : vector<128x1xf32> to vector<128x2048xf32>
    %sub3A_139 = vector.broadcast %slice3A_137 : vector<1x2048xf32> to vector<128x2048xf32>
    %sub3A_140 = arith.subf %sub3A_138, %sub3A_139 : vector<128x2048xf32>
    %mul3A_141 = arith.mulf %sub3A_140, %sub3A_140 : vector<128x2048xf32>
    %slice3A_142 = vector.extract_strided_slice %get3A_3 {offsets = [0, 23], sizes = [128, 1], strides = [1, 1]} : vector<128x32xf32> to vector<128x1xf32>
    %slice3A_143 = vector.extract_strided_slice %get3A_6 {offsets = [23, 0], sizes = [1, 2048], strides = [1, 1]} : vector<32x2048xf32> to vector<1x2048xf32>
    %sub3A_144 = vector.broadcast %slice3A_142 : vector<128x1xf32> to vector<128x2048xf32>
    %sub3A_145 = vector.broadcast %slice3A_143 : vector<1x2048xf32> to vector<128x2048xf32>
    %sub3A_146 = arith.subf %sub3A_144, %sub3A_145 : vector<128x2048xf32>
    %mul3A_147 = arith.mulf %sub3A_146, %sub3A_146 : vector<128x2048xf32>
    %slice3A_148 = vector.extract_strided_slice %get3A_3 {offsets = [0, 24], sizes = [128, 1], strides = [1, 1]} : vector<128x32xf32> to vector<128x1xf32>
    %slice3A_149 = vector.extract_strided_slice %get3A_6 {offsets = [24, 0], sizes = [1, 2048], strides = [1, 1]} : vector<32x2048xf32> to vector<1x2048xf32>
    %sub3A_150 = vector.broadcast %slice3A_148 : vector<128x1xf32> to vector<128x2048xf32>
    %sub3A_151 = vector.broadcast %slice3A_149 : vector<1x2048xf32> to vector<128x2048xf32>
    %sub3A_152 = arith.subf %sub3A_150, %sub3A_151 : vector<128x2048xf32>
    %mul3A_153 = arith.mulf %sub3A_152, %sub3A_152 : vector<128x2048xf32>
    %slice3A_154 = vector.extract_strided_slice %get3A_3 {offsets = [0, 25], sizes = [128, 1], strides = [1, 1]} : vector<128x32xf32> to vector<128x1xf32>
    %slice3A_155 = vector.extract_strided_slice %get3A_6 {offsets = [25, 0], sizes = [1, 2048], strides = [1, 1]} : vector<32x2048xf32> to vector<1x2048xf32>
    %sub3A_156 = vector.broadcast %slice3A_154 : vector<128x1xf32> to vector<128x2048xf32>
    %sub3A_157 = vector.broadcast %slice3A_155 : vector<1x2048xf32> to vector<128x2048xf32>
    %sub3A_158 = arith.subf %sub3A_156, %sub3A_157 : vector<128x2048xf32>
    %mul3A_159 = arith.mulf %sub3A_158, %sub3A_158 : vector<128x2048xf32>
    %slice3A_160 = vector.extract_strided_slice %get3A_3 {offsets = [0, 26], sizes = [128, 1], strides = [1, 1]} : vector<128x32xf32> to vector<128x1xf32>
    %slice3A_161 = vector.extract_strided_slice %get3A_6 {offsets = [26, 0], sizes = [1, 2048], strides = [1, 1]} : vector<32x2048xf32> to vector<1x2048xf32>
    %sub3A_162 = vector.broadcast %slice3A_160 : vector<128x1xf32> to vector<128x2048xf32>
    %sub3A_163 = vector.broadcast %slice3A_161 : vector<1x2048xf32> to vector<128x2048xf32>
    %sub3A_164 = arith.subf %sub3A_162, %sub3A_163 : vector<128x2048xf32>
    %mul3A_165 = arith.mulf %sub3A_164, %sub3A_164 : vector<128x2048xf32>
    %slice3A_166 = vector.extract_strided_slice %get3A_3 {offsets = [0, 27], sizes = [128, 1], strides = [1, 1]} : vector<128x32xf32> to vector<128x1xf32>
    %slice3A_167 = vector.extract_strided_slice %get3A_6 {offsets = [27, 0], sizes = [1, 2048], strides = [1, 1]} : vector<32x2048xf32> to vector<1x2048xf32>
    %sub3A_168 = vector.broadcast %slice3A_166 : vector<128x1xf32> to vector<128x2048xf32>
    %sub3A_169 = vector.broadcast %slice3A_167 : vector<1x2048xf32> to vector<128x2048xf32>
    %sub3A_170 = arith.subf %sub3A_168, %sub3A_169 : vector<128x2048xf32>
    %mul3A_171 = arith.mulf %sub3A_170, %sub3A_170 : vector<128x2048xf32>
    %slice3A_172 = vector.extract_strided_slice %get3A_3 {offsets = [0, 28], sizes = [128, 1], strides = [1, 1]} : vector<128x32xf32> to vector<128x1xf32>
    %slice3A_173 = vector.extract_strided_slice %get3A_6 {offsets = [28, 0], sizes = [1, 2048], strides = [1, 1]} : vector<32x2048xf32> to vector<1x2048xf32>
    %sub3A_174 = vector.broadcast %slice3A_172 : vector<128x1xf32> to vector<128x2048xf32>
    %sub3A_175 = vector.broadcast %slice3A_173 : vector<1x2048xf32> to vector<128x2048xf32>
    %sub3A_176 = arith.subf %sub3A_174, %sub3A_175 : vector<128x2048xf32>
    %mul3A_177 = arith.mulf %sub3A_176, %sub3A_176 : vector<128x2048xf32>
    %slice3A_178 = vector.extract_strided_slice %get3A_3 {offsets = [0, 29], sizes = [128, 1], strides = [1, 1]} : vector<128x32xf32> to vector<128x1xf32>
    %slice3A_179 = vector.extract_strided_slice %get3A_6 {offsets = [29, 0], sizes = [1, 2048], strides = [1, 1]} : vector<32x2048xf32> to vector<1x2048xf32>
    %sub3A_180 = vector.broadcast %slice3A_178 : vector<128x1xf32> to vector<128x2048xf32>
    %sub3A_181 = vector.broadcast %slice3A_179 : vector<1x2048xf32> to vector<128x2048xf32>
    %sub3A_182 = arith.subf %sub3A_180, %sub3A_181 : vector<128x2048xf32>
    %mul3A_183 = arith.mulf %sub3A_182, %sub3A_182 : vector<128x2048xf32>
    %slice3A_184 = vector.extract_strided_slice %get3A_3 {offsets = [0, 30], sizes = [128, 1], strides = [1, 1]} : vector<128x32xf32> to vector<128x1xf32>
    %slice3A_185 = vector.extract_strided_slice %get3A_6 {offsets = [30, 0], sizes = [1, 2048], strides = [1, 1]} : vector<32x2048xf32> to vector<1x2048xf32>
    %sub3A_186 = vector.broadcast %slice3A_184 : vector<128x1xf32> to vector<128x2048xf32>
    %sub3A_187 = vector.broadcast %slice3A_185 : vector<1x2048xf32> to vector<128x2048xf32>
    %sub3A_188 = arith.subf %sub3A_186, %sub3A_187 : vector<128x2048xf32>
    %mul3A_189 = arith.mulf %sub3A_188, %sub3A_188 : vector<128x2048xf32>
    %slice3A_190 = vector.extract_strided_slice %get3A_3 {offsets = [0, 31], sizes = [128, 1], strides = [1, 1]} : vector<128x32xf32> to vector<128x1xf32>
    %slice3A_191 = vector.extract_strided_slice %get3A_6 {offsets = [31, 0], sizes = [1, 2048], strides = [1, 1]} : vector<32x2048xf32> to vector<1x2048xf32>
    %sub3A_192 = vector.broadcast %slice3A_190 : vector<128x1xf32> to vector<128x2048xf32>
    %sub3A_193 = vector.broadcast %slice3A_191 : vector<1x2048xf32> to vector<128x2048xf32>
    %sub3A_194 = arith.subf %sub3A_192, %sub3A_193 : vector<128x2048xf32>
    %mul3A_195 = arith.mulf %sub3A_194, %sub3A_194 : vector<128x2048xf32>
    %add3A = arith.addf %mul3A, %mul3A_57 : vector<128x2048xf32>
    %add3A_196 = arith.addf %add3A, %mul3A_105 : vector<128x2048xf32>
    %add3A_197 = arith.addf %add3A_196, %mul3A_153 : vector<128x2048xf32>
    %add3A_198 = arith.addf %mul3A_15, %mul3A_63 : vector<128x2048xf32>
    %add3A_199 = arith.addf %add3A_198, %mul3A_111 : vector<128x2048xf32>
    %add3A_200 = arith.addf %add3A_199, %mul3A_159 : vector<128x2048xf32>
    %add3A_201 = arith.addf %mul3A_21, %mul3A_69 : vector<128x2048xf32>
    %add3A_202 = arith.addf %add3A_201, %mul3A_117 : vector<128x2048xf32>
    %add3A_203 = arith.addf %add3A_202, %mul3A_165 : vector<128x2048xf32>
    %add3A_204 = arith.addf %mul3A_27, %mul3A_75 : vector<128x2048xf32>
    %add3A_205 = arith.addf %add3A_204, %mul3A_123 : vector<128x2048xf32>
    %add3A_206 = arith.addf %add3A_205, %mul3A_171 : vector<128x2048xf32>
    %add3A_207 = arith.addf %mul3A_33, %mul3A_81 : vector<128x2048xf32>
    %add3A_208 = arith.addf %add3A_207, %mul3A_129 : vector<128x2048xf32>
    %add3A_209 = arith.addf %add3A_208, %mul3A_177 : vector<128x2048xf32>
    %add3A_210 = arith.addf %mul3A_39, %mul3A_87 : vector<128x2048xf32>
    %add3A_211 = arith.addf %add3A_210, %mul3A_135 : vector<128x2048xf32>
    %add3A_212 = arith.addf %add3A_211, %mul3A_183 : vector<128x2048xf32>
    %add3A_213 = arith.addf %mul3A_45, %mul3A_93 : vector<128x2048xf32>
    %add3A_214 = arith.addf %add3A_213, %mul3A_141 : vector<128x2048xf32>
    %add3A_215 = arith.addf %add3A_214, %mul3A_189 : vector<128x2048xf32>
    %add3A_216 = arith.addf %mul3A_51, %mul3A_99 : vector<128x2048xf32>
    %add3A_217 = arith.addf %add3A_216, %mul3A_147 : vector<128x2048xf32>
    %add3A_218 = arith.addf %add3A_217, %mul3A_195 : vector<128x2048xf32>
    %add3A_219 = arith.addf %add3A_197, %add3A_209 : vector<128x2048xf32>
    %add3A_220 = arith.addf %add3A_203, %add3A_215 : vector<128x2048xf32>
    %add3A_221 = arith.addf %add3A_219, %add3A_220 : vector<128x2048xf32>
    %add3A_222 = arith.addf %add3A_200, %add3A_212 : vector<128x2048xf32>
    %add3A_223 = arith.addf %add3A_206, %add3A_218 : vector<128x2048xf32>
    %add3A_224 = arith.addf %add3A_222, %add3A_223 : vector<128x2048xf32>
    %add3A_225 = arith.addf %add3A_221, %add3A_224 : vector<128x2048xf32>
    %reduce_min3A = arith.constant dense<0x7F800000> : vector<128xf32>
    %reduce_min3A_226 = vector.multi_reduction <minimumf>, %add3A_225, %reduce_min3A [1] : vector<128x2048xf32> to vector<128xf32>
    %broadcast_in_dim3A = vector.shape_cast %reduce_min3A_226 : vector<128xf32> to vector<128x1xf32>
    %iota3A = tpu.iota {dimensions = array<i32: 1>} : vector<128x2048xi32>
    %mul3A_227 = arith.constant 2048 : i32
    %mul3A_228 = arith.muli %arg1, %mul3A_227 : i32
    %add3A_229 = vector.broadcast %mul3A_228 : i32 to vector<128x2048xi32>
    %add3A_230 = arith.addi %iota3A, %add3A_229 : vector<128x2048xi32>
    %eq3A_231 = vector.broadcast %broadcast_in_dim3A : vector<128x1xf32> to vector<128x2048xf32>
    %eq3A_232 = arith.cmpf oeq, %add3A_225, %eq3A_231 : vector<128x2048xf32>
    %jit3A = arith.constant 1073741824 : i32
    %broadcast_in_dim3A_233 = vector.broadcast %jit3A : i32 to vector<128x2048xi32>
    %select_n3A = arith.select %eq3A_232, %add3A_230, %broadcast_in_dim3A_233 : vector<128x2048xi1>, vector<128x2048xi32>
    %reduce_min3A_234 = arith.constant dense<2147483647> : vector<128xi32>
    %reduce_min3A_235 = vector.multi_reduction <minsi>, %select_n3A, %reduce_min3A_234 [1] : vector<128x2048xi32> to vector<128xi32>
    %broadcast_in_dim3A_236 = vector.shape_cast %reduce_min3A_235 : vector<128xi32> to vector<128x1xi32>
    %eq3A_237 = arith.constant 0 : i32
    %eq3A_238 = arith.cmpi eq, %arg1, %eq3A_237 : i32
    %convert_element_type3A_239 = arith.extui %eq3A_238 : i1 to i32
    %cond3A_240 = arith.constant 0 : i32
    %cond3A_241 = arith.cmpi ne, %convert_element_type3A_239, %cond3A_240 : i32
    scf.if %cond3A_241 {
      %swap3A = arith.constant 0 : index
      %swap3A_251 = arith.constant 0 : index
      %swap3A_252 = vector.load %arg8[%swap3A, %swap3A_251] : memref<128x1xf32, #tpu.memory_space<vmem>>, vector<128x1xf32>
      tpu.vector_store %arg8[%swap3A, %swap3A_251], %broadcast_in_dim3A {strides = array<i32>} : memref<128x1xf32, #tpu.memory_space<vmem>>, vector<128x1xf32>,
      %swap3A_253 = arith.constant 0 : index
      %swap3A_254 = arith.constant 0 : index
      %swap3A_255 = vector.load %arg9[%swap3A_253, %swap3A_254] : memref<128x1xi32, #tpu.memory_space<vmem>>, vector<128x1xi32>
      tpu.vector_store %arg9[%swap3A_253, %swap3A_254], %broadcast_in_dim3A_236 {strides = array<i32>} : memref<128x1xi32, #tpu.memory_space<vmem>>, vector<128x1xi32>,
    } else {
    }
    %gt3A = arith.constant 0 : i32
    %gt3A_242 = arith.cmpi sgt, %arg1, %gt3A : i32
    %convert_element_type3A_243 = arith.extui %gt3A_242 : i1 to i32
    %cond3A_244 = arith.constant 0 : i32
    %cond3A_245 = arith.cmpi ne, %convert_element_type3A_243, %cond3A_244 : i32
    scf.if %cond3A_245 {
      %get3A_251 = arith.constant 0 : index
      %get3A_252 = arith.constant 0 : index
      %get3A_253 = vector.load %arg8[%get3A_251, %get3A_252] : memref<128x1xf32, #tpu.memory_space<vmem>>, vector<128x1xf32>
      %lt3A = arith.cmpf olt, %broadcast_in_dim3A, %get3A_253 : vector<128x1xf32>
      %get3A_254 = arith.constant 0 : index
      %get3A_255 = arith.constant 0 : index
      %get3A_256 = vector.load %arg8[%get3A_254, %get3A_255] : memref<128x1xf32, #tpu.memory_space<vmem>>, vector<128x1xf32>
      %select_n3A_257 = arith.select %lt3A, %broadcast_in_dim3A, %get3A_256 : vector<128x1xi1>, vector<128x1xf32>
      %swap3A = arith.constant 0 : index
      %swap3A_258 = arith.constant 0 : index
      %swap3A_259 = vector.load %arg8[%swap3A, %swap3A_258] : memref<128x1xf32, #tpu.memory_space<vmem>>, vector<128x1xf32>
      tpu.vector_store %arg8[%swap3A, %swap3A_258], %select_n3A_257 {strides = array<i32>} : memref<128x1xf32, #tpu.memory_space<vmem>>, vector<128x1xf32>,
      %get3A_260 = arith.constant 0 : index
      %get3A_261 = arith.constant 0 : index
      %get3A_262 = vector.load %arg9[%get3A_260, %get3A_261] : memref<128x1xi32, #tpu.memory_space<vmem>>, vector<128x1xi32>
      %select_n3A_263 = arith.select %lt3A, %broadcast_in_dim3A_236, %get3A_262 : vector<128x1xi1>, vector<128x1xi32>
      %swap3A_264 = arith.constant 0 : index
      %swap3A_265 = arith.constant 0 : index
      %swap3A_266 = vector.load %arg9[%swap3A_264, %swap3A_265] : memref<128x1xi32, #tpu.memory_space<vmem>>, vector<128x1xi32>
      tpu.vector_store %arg9[%swap3A_264, %swap3A_265], %select_n3A_263 {strides = array<i32>} : memref<128x1xi32, #tpu.memory_space<vmem>>, vector<128x1xi32>,
    } else {
    }
    %eq3A_246 = arith.constant 3 : i32
    %eq3A_247 = arith.cmpi eq, %arg1, %eq3A_246 : i32
    %convert_element_type3A_248 = arith.extui %eq3A_247 : i1 to i32
    %cond3A_249 = arith.constant 0 : i32
    %cond3A_250 = arith.cmpi ne, %convert_element_type3A_248, %cond3A_249 : i32
    scf.if %cond3A_250 {
      %get3A_251 = arith.constant 0 : index
      %get3A_252 = arith.constant 0 : index
      %get3A_253 = vector.load %arg5[%get3A_251, %get3A_252] : memref<128x1xi32, #tpu.memory_space<vmem>>, vector<128x1xi32>
      %reshape3A = vector.shape_cast %get3A_253 : vector<128x1xi32> to vector<1x128xi32>
      %get3A_254 = arith.constant 0 : index
      %get3A_255 = arith.constant 0 : index
      %get3A_256 = vector.load %arg9[%get3A_254, %get3A_255] : memref<128x1xi32, #tpu.memory_space<vmem>>, vector<128x1xi32>
      %reshape3A_257 = vector.shape_cast %get3A_256 : vector<128x1xi32> to vector<1x128xi32>
      %iota3A_258 = tpu.iota {dimensions = array<i32: 0>} : vector<4096x128xi32>
      %eq3A_259 = vector.broadcast %reshape3A : vector<1x128xi32> to vector<4096x128xi32>
      %eq3A_260 = arith.cmpi eq, %iota3A_258, %eq3A_259 : vector<4096x128xi32>
      %jit3A_261 = arith.constant -1 : i32
      %broadcast_in_dim3A_262 = vector.shape_cast %reshape3A_257 : vector<1x128xi32> to vector<1x128xi32>
      %broadcast_in_dim3A_263 = vector.broadcast %broadcast_in_dim3A_262 : vector<1x128xi32> to vector<4096x128xi32>
      %broadcast_in_dim3A_264 = vector.broadcast %jit3A_261 : i32 to vector<4096x128xi32>
      %select_n3A_265 = arith.select %eq3A_260, %broadcast_in_dim3A_263, %broadcast_in_dim3A_264 : vector<4096x128xi1>, vector<4096x128xi32>
      %reduce_max3A = arith.constant dense<-2147483648> : vector<4096xi32>
      %reduce_max3A_266 = vector.multi_reduction <maxsi>, %select_n3A_265, %reduce_max3A [1] : vector<4096x128xi32> to vector<4096xi32>
      %broadcast_in_dim3A_267 = vector.shape_cast %reduce_max3A_266 : vector<4096xi32> to vector<4096x1xi32>
      %ge3A = arith.constant 0 : i32
      %ge3A_268 = vector.broadcast %ge3A : i32 to vector<4096x1xi32>
      %ge3A_269 = arith.cmpi sge, %broadcast_in_dim3A_267, %ge3A_268 : vector<4096x1xi32>
      %get3A_270 = arith.constant 0 : index
      %get3A_271 = arith.constant 0 : index
      %get3A_272 = vector.load %arg4[%get3A_270, %get3A_271] : memref<4096x1xi32, #tpu.memory_space<vmem>>, vector<4096x1xi32>
      %select_n3A_273 = arith.select %ge3A_269, %broadcast_in_dim3A_267, %get3A_272 : vector<4096x1xi1>, vector<4096x1xi32>
      %swap3A = arith.constant 0 : index
      %swap3A_274 = arith.constant 0 : index
      %swap3A_275 = vector.load %arg6[%swap3A, %swap3A_274] : memref<4096x1xi32, #tpu.memory_space<vmem>>, vector<4096x1xi32>
      tpu.vector_store %arg6[%swap3A, %swap3A_274], %select_n3A_273 {strides = array<i32>} : memref<4096x1xi32, #tpu.memory_space<vmem>>, vector<4096x1xi32>,
    } else {
    }
    return
  }
  func.func @transform_0(%arg0: i32, %arg1: i32) -> (i32, i32) {
    %c0_i32 = arith.constant 0 : i32
    %c0_i32_0 = arith.constant 0 : i32
    %c0_i32_1 = arith.constant 0 : i32
    return %c0_i32, %c0_i32_0 : i32, i32
  }
  func.func @transform_1(%arg0: i32, %arg1: i32) -> (i32, i32) {
    %c0_i32 = arith.constant 0 : i32
    %c0_i32_0 = arith.constant 0 : i32
    return %c0_i32, %arg1 : i32, i32
  }
  func.func @transform_2(%arg0: i32, %arg1: i32) -> (i32, i32) {
    %c0_i32 = arith.constant 0 : i32
    %c0_i32_0 = arith.constant 0 : i32
    %c0_i32_1 = arith.constant 0 : i32
    return %c0_i32, %c0_i32_0 : i32, i32
  }
  func.func @transform_3(%arg0: i32, %arg1: i32) -> (i32, i32) {
    %c0_i32 = arith.constant 0 : i32
    %c0_i32_0 = arith.constant 0 : i32
    %c0_i32_1 = arith.constant 0 : i32
    return %c0_i32, %c0_i32_0 : i32, i32
  }
  func.func @transform_4(%arg0: i32, %arg1: i32) -> (i32, i32) {
    %c0_i32 = arith.constant 0 : i32
    %c0_i32_0 = arith.constant 0 : i32
    %c0_i32_1 = arith.constant 0 : i32
    return %c0_i32, %c0_i32_0 : i32, i32
  }
}

</mosaic_0001>

<sc_bundles>
// kernel: kernel.5.cloned.1.call-start
scs
__scs_entry_jumppad:
0x0: {  	(pc) =	sbr.rel $0x88, $3  }
0x1: {  	(tag) =	ssettag $0x0;
	lr =	simm.s32 $0x1  }
0x2: {  	[smem:$0x3F9F] =	sst lr;
	_ =	strace $0xD0000000  }
0x3: {  	_ = 	snop  }
0x4: {  	_ = 	snop  }
0x5: {  	_ = 	snop  }
0x6: {  	_ = 	snop  }
0x7: {  	_ = 	snop  }
__scs_overlays_trampoline_lowered:
0x8: {  	[smem:$0x3FAE] =	sst s0  }
0x9: {  	[smem:$0x3FAF] =	sst s1  }
0xa: {  	[smem:$0x3FB0] =	sst s2  }
0xb: {  	[smem:$0x3FB1] =	sst s3  }
0xc: {  	[smem:$0x3FB2] =	sst s4  }
0xd: {  	[smem:$0x3FB3] =	sst s5  }
0xe: {  	[smem:$0x3FB4] =	sst s6  }
0xf: {  	[smem:$0x3FB5] =	sst s7  }
0x10: {  	[smem:$0x3FB6] =	sst s8  }
0x11: {  	[smem:$0x3FB7] =	sst s9;
	s0 =	simm.s32 @!p0 $0x0  }
0x12: {  	s1 =	sld [smem:$0x3F9D];
	s0 =	simm.s32 @p0 $0x1  }
0x13: {  	[smem:$0x3FB8] =	sst s0;
	s0 =	simm.s32 @!p1 $0x0  }
0x14: {  	s2 =	sld [smem:$0x3F9C];
	s0 =	simm.s32 @p1 $0x1  }
0x15: {  	[smem:$0x3FB9] =	sst s0;
	s0 =	simm.s32 @!p2 $0x0  }
0x16: {  	s3 =	sld [smem:$0x3FDB];
	s0 =	simm.s32 @p2 $0x1  }
0x17: {  	s4 =	simm.s32 $0x1BF5;
	[smem:$0x3FBB] =	sst s0  }
0x18: {  	s0 =	sld [smem:$0x3F9E];
	_ =	swait.ge [sflag:s4], $0x0  }
0x19: {  	s7 =	sld [smem:$0x3F9F]  }
0x1a: {  	s8 =	sadd.s32 $0xFFFFE003, lr  }
0x1b: {  	s9 =	sadd.s32 $0xFFFFFEF7, lr;
	s5 =	simm.s32 $0xFFFFFFFF;
	p2 =	slt.u32 s8, $0xFFFFF086  }
0x1c: {  	p1 =	slt.u32 s9, $0xF7A;
	s5 =	simm.s32 @!p2 $0x0  }
0x1d: {  	s5 =	simm.s32 @p1 $0x1;
	p0 =	seq.s32 s7, s2  }
0x1e: {  	s7 =	smul.u32 @!p0 $0xF7A, s2;
	p2 =	seq.s32 @!p0 s5, $0x0  }
0x1f: {  	s9 =	smul.u32 $0xF7A, s1;
	s8 =	simm.s32 @!p0 $0x1BF5;
	p2 =	por !p2, p0  }
0x20: {  	[sflag:s8] =	ssyncset.s32 @!p0 $0xFFFFF086;
	s6 =	sadd.s32 @!p0 s3, s7;
	s7 =	simm.s32 @!p0 $0x108  }
0x21: {  	s3 =	sadd.s32 s3, s9;
	s6 =	sadd.s32 @!p0 $0x88, s6;
	s7 =	simm.s32 @p2 $0x1082  }
0x22: {  	[simem:s7], [sflag:s8] =	dma.local @!p0 [hbm:s6], $0xF7A  }
0x23: {  	s9 =	sor.u32 $0xD0000000, s2;
	s6 =	simm.s32 $0x108;
	_ =	swait.ge @!p0 [sflag:s8], $0x0  }
0x24: {  	s3 =	sadd.s32 $0x88, s3;
	s6 =	simm.s32 @!p1 $0x1082;
	[sflag:s4] =	ssyncset.s32 $0xFFFFF086  }
0x25: {  	[simem:s6], [sflag:s4] =	dma.local [hbm:s3], $0xF7A  }
0x26: {  	[smem:$0x3F9F] =	sst s1;
	(tag) =	ssettag s2;
	_ =	strace s9  }
0x27: {  	s1 =	sld [smem:$0x3FAF]  }
0x28: {  	s2 =	sld [smem:$0x3FB0]  }
0x29: {  	s4 =	sld [smem:$0x3FB2]  }
0x2a: {  	p0 =	seq.s32 s5, $0x0;
	s5 =	sld [smem:$0x3FB3]  }
0x2b: {  	s6 =	sld [smem:$0x3FB4]  }
0x2c: {  	s7 =	sld [smem:$0x3FB5]  }
0x2d: {  	s3 =	simm.s32 $0x108;
	s8 =	sld [smem:$0x3FB6]  }
0x2e: {  	s3 =	simm.s32 @!p0 $0x1082;
	s9 =	sld [smem:$0x3FB7]  }
0x2f: {  	lr =	sadd.s32 s0, s3;
	s0 =	sld [smem:$0x3FAE]  }
0x30: {  	s3 =	sld [smem:$0x3FB1]  }
0x31: {  	[smem:$0x3FBA] =	sst s10  }
0x32: {  	s10 =	sld [smem:$0x3FB8];
	_ =	sdelay $0x3  }
0x33: {  	p0 =	seq.s32 s10, $0x1;
	s10 =	sld [smem:$0x3FBA];
	_ =	sdelay $0x3  }
0x34: {  	[smem:$0x3FBA] =	sst s10  }
0x35: {  	s10 =	sld [smem:$0x3FB9];
	_ =	sdelay $0x3  }
0x36: {  	p1 =	seq.s32 s10, $0x1;
	s10 =	sld [smem:$0x3FBA];
	_ =	sdelay $0x3  }
0x37: {  	[smem:$0x3FBA] =	sst s10  }
0x38: {  	s10 =	sld [smem:$0x3FBB]  }
0x39: {  	_ = 	snop;
	(pc) =	sbr.ind lr, $3  }
0x3a: {  	_ = 	snop  }
0x3b: {  	_ = 	snop  }
0x3c: {  	p2 =	seq.s32 s10, $0x1;
	s10 =	sld [smem:$0x3FBA]  }
0x3d: {  	_ =	shalt  }
0x3e: {  	_ =	shalt  }
0x3f: {  	_ =	shalt  }
0x40: {  	_ =	shalt  }
0x41: {  	_ =	shalt  }
0x42: {  	_ =	shalt  }
0x43: {  	_ =	shalt  }
0x44: {  	_ =	shalt  }
0x45: {  	_ =	shalt  }
0x46: {  	_ =	shalt  }
0x47: {  	_ =	shalt  }
0x48: {  	_ =	shalt  }
0x49: {  	_ =	shalt  }
0x4a: {  	_ =	shalt  }
0x4b: {  	_ =	shalt  }
0x4c: {  	_ =	shalt  }
0x4d: {  	_ =	shalt  }
0x4e: {  	_ =	shalt  }
0x4f: {  	_ =	shalt  }
0x50: {  	_ =	shalt  }
0x51: {  	_ =	shalt  }
0x52: {  	_ =	shalt  }
0x53: {  	_ =	shalt  }
0x54: {  	_ =	shalt  }
0x55: {  	_ =	shalt  }
0x56: {  	_ =	shalt  }
0x57: {  	_ =	shalt  }
0x58: {  	_ =	shalt  }
0x59: {  	_ =	shalt  }
0x5a: {  	_ =	shalt  }
0x5b: {  	_ =	shalt  }
0x5c: {  	_ =	shalt  }
0x5d: {  	_ =	shalt  }
0x5e: {  	_ =	shalt  }
0x5f: {  	_ =	shalt  }
0x60: {  	_ =	shalt  }
0x61: {  	_ =	shalt  }
0x62: {  	_ =	shalt  }
0x63: {  	_ =	shalt  }
0x64: {  	_ =	shalt  }
0x65: {  	_ =	shalt  }
0x66: {  	_ =	shalt  }
0x67: {  	_ =	shalt  }
0x68: {  	_ =	shalt  }
0x69: {  	_ =	shalt  }
0x6a: {  	_ =	shalt  }
0x6b: {  	_ =	shalt  }
0x6c: {  	_ =	shalt  }
0x6d: {  	_ =	shalt  }
0x6e: {  	_ =	shalt  }
0x6f: {  	_ =	shalt  }
0x70: {  	_ =	shalt  }
0x71: {  	_ =	shalt  }
0x72: {  	_ =	shalt  }
0x73: {  	_ =	shalt  }
0x74: {  	_ =	shalt  }
0x75: {  	_ =	shalt  }
0x76: {  	_ =	shalt  }
0x77: {  	_ =	shalt  }
0x78: {  	_ =	shalt  }
0x79: {  	_ =	shalt  }
0x7a: {  	_ =	shalt  }
0x7b: {  	_ =	shalt  }
0x7c: {  	_ =	shalt  }
0x7d: {  	_ =	shalt  }
0x7e: {  	_ =	shalt  }
0x7f: {  	_ =	shalt  }
0x80: {  	_ =	shalt  }
0x81: {  	_ =	shalt  }
0x82: {  	_ =	shalt  }
0x83: {  	_ =	shalt  }
0x84: {  	_ =	shalt  }
0x85: {  	_ =	shalt  }
0x86: {  	_ =	shalt  }
0x87: {  	_ =	shalt  }
.Lfunc_end0:
.L_simem_size_0:
called_computation_lowered:
.L_overlay_start_0:
0x88: {  	s2 =	sld [smem:$0x3FD9]  }
0x89: {  	s3 =	sld [smem:$0x3FFE];
	_ =	sdelay $0x1  }
0x8a: {  	s1 =	srdreg.scid  }
0x8b: {  	s0 =	sand.u32 $0x1, s1  }
0x8c: {  	s17 =	sshll.u32 s0, $0xA;
	s2 =	sadd.s32 s3, s2  }
0x8d: {  	s2 =	sadd.s32 s2, s17  }
0x8e: {  	[smem:$0x3FC6] =	sst s2  }
0x8f: {  	_ = 	snop  }
0x90: {  	s2 =	sld [smem:$0x3FD0];
	(tm) =	ssettm $0x1  }
0x91: {  	s18 =	sld [smem:$0x3FFB];
	_ =	sdelay $0x3  }
0x92: {  	_ =	strace s18  }
0x93: {  	s3 =	sld [smem:$0x3FFC];
	_ =	sdelay $0x3  }
0x94: {  	_ =	strace s3  }
0x95: {  	s3 =	sld [smem:$0x3FFD];
	_ =	sdelay $0x3  }
0x96: {  	_ =	strace s3  }
0x97: {  	_ =	strace $0x8FFFFFFF  }
0x98: {  	s19 =	sld [smem:$0x3FDB];
	_ =	sdelay $0x1  }
0x99: {  	s4 =	simm.s32 $_scs_section_size  }
0x9a: {  	s5 =	simm.s32 $_size__tile_overlayer_lowered;
	s6 =	simm.s32 $_tile_overlayer_lowered  }
0x9b: {  	s22 =	simm.s32 $0x1BFF;
	s21 =	sshll.u32 s6, $0x1;
	s3 =	sadd.s32 s4, s19  }
0x9c: {  	s7 =	simm.s32 $0x0;
	s20 =	sshll.u32 s5, $0x1;
	s5 =	sadd.s32 s21, s3  }
0x9d: {  	[timem:s7], [sflag:s22] =	dma.local [hbm:s5], s20  }
0x9e: {  	_ =	swait.ge [sflag:s22], s20  }
0x9f: {  	s4 =	ssub.s32 $0x0, s20;
	[sflag:s22] =	ssyncset.done $0x0  }
0xa0: {  	[sflag:s22] =	ssyncadd.s32 s4;
	_ =	sdelay $0x1  }
0xa1: {  	s23 =	simm.s32 $0x1B8B  }
0xa2: {  	_ =	swait.ge [sflag:s23], $0x1  }
0xa3: {  	[sflag:s23] =	ssyncset.done $0x0  }
0xa4: {  	s25 =	simm.s32 $0x1B8E;
	s24 =	sld [smem:$0x3FFE];
	[sflag:s23] =	ssyncadd.s32 $0xFFFFFFFF  }
0xa5: {  	s26 =	simm.s32 $execute0_lowered;
	[smem:$0x3FD2] =	sst s25  }
0xa6: {  	s5 =	sshll.u32 s26, $0x1;
	_ =	strace $0x80000046;
	[dreg:$0x1] =	wrdreg $0xFFFFFFFF  }
0xa7: {  	s28 =	simm.s32 $_size_execute0_lowered;
	s3 =	sadd.s32 s3, s5;
	[dreg:$0x0] =	wrdreg $0x0  }
0xa8: {  	s5 =	sshll.u32 s28, $0x1;
	[dreg:$0x2] =	wrdreg s3  }
0xa9: {  	[dreg:$0x3] =	wrdreg s5  }
0xaa: {  	[dreg:$0x4] =	wrdreg $0xC0  }
0xab: {  	_ =	task [dreg:s7], $0x5FFFF  }
0xac: {  	[dreg:$0x1] =	wrdreg $0xFFFFFFFF  }
0xad: {  	[dreg:$0x0] =	wrdreg $0x60  }
0xae: {  	[dreg:$0x2] =	wrdreg s24  }
0xaf: {  	[dreg:$0x3] =	wrdreg s2  }
0xb0: {  	[dreg:$0x4] =	wrdreg $0x9  }
0xb1: {  	_ =	task.clear_ibuf [dreg:s7], $0x5FFFF;
	_ =	strace $0x90000046  }
0xb2: {  	s29 =	simm.s32 $0x9;
	_ =	strace $0x80000048  }
0xb3: {  	_ =	swait.ge [sflag:s29], $0x1  }
0xb4: {  	[sflag:s29] =	ssyncadd.s32 $0xFFFFFFFF  }
0xb5: {  	_ =	strace $0x90000048  }
0xb6: {  	_ =	sfence  }
0xb7: {  	s30 =	sld [smem:$0x0];
	_ =	sdelay $0x2  }
0xb8: {  	s31 =	sshll.u32 s1, $0xD;
	s1 =	sshrl.u32 s1, $0x2  }
0xb9: {  	s3 =	sand.u32 $0x4000, s31;
	s1 =	sadd.s32 s1, s30  }
0xba: {  	s0 =	sor.u32 s3, s0;
	s1 =	sshll.u32 s1, $0x11  }
0xbb: {  	s0 =	sor.u32 s1, s0  }
0xbc: {  	s0 =	sadd.s32 $0x8F2B, s0  }
0xbd: {  	[sflag:s0] =	ssyncadd.remote.s32 $0x1  }
0xbe: {  	_ =	sfence.sel $0xFFFF  }
0xbf: {  	[dreg:$0x0] =	wrdreg $0xFFFFFFFF;
	(pc) =	sbr.abs _section_cstart, $3  }
0xc0: {  	[dreg:$0x1] =	wrdreg $0xFFFFFFFF  }
0xc1: {  	_ =	task.clear_ibuf [dreg:s7], $0x2FFFF;
	_ =	strace $0x9FFFFFFF  }
0xc2: {  	(tm) =	ssettm $0x7FFFFFFF  }
0xc3: {  	_ =	shalt  }
tec
execute0_lowered:
.L_overlay_start_1:
0x0: {  	(tag) =	ssettag $0x1  }
0x1: {  	s1 =	srdreg.scid  }
0x2: {  	s0 =	stileid.u32;
	s6 =	sand.u32 $0x1, s1  }
0x3: {  	s5 =	rddreg [dreg:$0x0];
	s30 =	sshll.u32 s0, $0x8;
	s2 =	sshll.u32 s6, $0x7  }
0x4: {  	s8 =	rddreg [dreg:$0x1];
	s9 =	sor.u32 s2, s30  }
0x5: {  	s1 =	rddreg [dreg:$0x2];
	s2 =	simm.s32 $0x0;
	s3 =	sshrl.u32 s9, $0x3  }
0x6: {  	s10 =	ssub.s32 $0x2, s6;
	[smem:$0x7FF] =	sst s2;
	s3 =	sadd.s32 s3, s5  }
0x7: {  	_ =	strace $0x80000047;
	s4 =	sadd.s32 $0x600, s3;
	s3 =	simm.s32 $0x2  }
0x8: {  	[tilespmem:s2], [sflag:$0x2] =	stream.linear.gather [hbm4b:s4+s2], $0x80, $0x38;
	[tilespmem:$0x4080] =	vst v63  }
0x9: {  	s7 =	simm.s32 $0x1;
	s11 =	sshrl.u32 s10, $0x1;
	_ =	swait.ge [sflag:s3], $0x80  }
0xa: {  	s6 =	simm.s32 $0x80;
	s10 =	ssub.s32 s10, s11;
	[sflag:s3] =	ssyncset.done $0x0  }
0xb: {  	s5 =	sadd.s32 $0x800, s5;
	s31 =	smax.u32 s10, $0x1;
	[sflag:s3] =	ssyncadd.s32 $0xFFFFFF80  }
0xc: {  	[tilespmem:s6], [sflag:$0x1] =	stream.indirect.gather [hbm4b:s5+s6], $0x80, s2, s6, $0xb8;
	[tilespmem:$0x4080] =	vst v63  }
0xd: {  	p0 =	sne.s32 s31, $0x1;
	_ =	swait.ge [sflag:s7], $0x4000  }
.Ltmp0:
0xe: {  	s9 =	sshll.u32 s9, $0x4;
	[sflag:s7] =	ssyncset.done $0x0;
	(pc) =	sbr.rel @!p0 .LBB2_2-.Ltmp0, $4  }
0xf: {  	s8 =	sadd.s32 s8, s9;
	[sflag:s7] =	ssyncadd.s32 $0xFFFFC000  }
0x10: {  	[hbm4b:s8+s2] =	stream.linear.scatter [tilespmem:s6], [sflag:$0x2], $0x4000, $0x38;
	[tilespmem:$0x4080] =	vst v63  }
0x11: {  	_ =	swait.ge [sflag:s3], $0x4000  }
0x12: {  	s9 =	sadd.s32 $0xFFFFFFFF, s31;
	[sflag:s3] =	ssyncset.done $0x0  }
.LBB2_1:
0x13: {  	p0 =	sne.s32 s9, $0x1;
	s9 =	sadd.s32 $0xFFFFFFFF, s9;
	[sflag:s3] =	ssyncadd.s32 $0xFFFFC000  }
0x14: {  	[tilespmem:s2], [sflag:$0x2] =	stream.linear.gather [hbm4b:s4+s2], $0x80, $0x38;
	[tilespmem:$0x4080] =	vst v63  }
0x15: {  	_ =	swait.ge [sflag:s3], $0x80  }
0x16: {  	[sflag:s3] =	ssyncset.done $0x0  }
0x17: {  	[sflag:s3] =	ssyncadd.s32 $0xFFFFFF80  }
0x18: {  	[tilespmem:s6], [sflag:$0x1] =	stream.indirect.gather [hbm4b:s5+s6], $0x80, s2, s6, $0xb8;
	[tilespmem:$0x4080] =	vst v63  }
0x19: {  	_ =	swait.ge [sflag:s7], $0x4000  }
.Ltmp1:
0x1a: {  	[sflag:s7] =	ssyncset.done $0x0;
	(pc) =	sbr.rel @p0 .LBB2_1-.Ltmp1, $4  }
0x1b: {  	[sflag:s7] =	ssyncadd.s32 $0xFFFFC000  }
0x1c: {  	[hbm4b:s8+s2] =	stream.linear.scatter [tilespmem:s6], [sflag:$0x2], $0x4000, $0x38;
	[tilespmem:$0x4080] =	vst v63  }
0x1d: {  	_ =	swait.ge [sflag:s3], $0x4000  }
0x1e: {  	[sflag:s3] =	ssyncset.done $0x0  }
.LBB2_2:
0x1f: {  	[sflag:s3] =	ssyncadd.s32 $0xFFFFC000  }
0x20: {  	_ =	sfence.sel $0x180000  }
0x21: {  	[bflag:$0x0] =	sbarrier.arrive $0xFFFF  }
0x22: {  	p0 =	sne.s32 s0, $0x0;
	_ =	strace $0x90000047  }
0x23: {  	s0 =	sadd.s32 @!p0 $0x100000, s1;
	[bflag:$0x2] =	sbarrier.arrive $0xFFFF  }
0x24: {  	[sflag:s0] =	ssyncadd.tile.s32 @!p0 $0x1;
	_ =	shalt  }
.Lfunc_end2:
_tile_overlayer_lowered:
.L_overlay_start_2:
0x25: {  	(tag) =	ssettag $0x2  }
0x26: {  	s0 =	rddreg [dreg:$0x0];
	s2 =	stileid.u32  }
0x27: {  	s1 =	rddreg [dreg:$0x1];
	p0 =	sne.s32 s2, $0x0  }
0x28: {  	s3 =	rddreg [dreg:$0x2];
	[bflag:$0x3] =	sbarrier.arrive $0xFFFF;
	s2 =	simm.s32 @!p0 $0x1C02  }
0x29: {  	[timem:s3], [sflag:s2] =	dma.local @!p0 [hbm:s0], s1  }
0x2a: {  	s0 =	simm.s32 @!p0 $0x2  }
0x2b: {  	_ =	swait.ge @!p0 [sflag:s0], s1  }
0x2c: {  	s1 =	ssub.s32 @!p0 $0x0, s1;
	[sflag:s0] =	ssyncset.done @!p0 $0x0  }
0x2d: {  	[sflag:s0] =	ssyncadd.s32 @!p0 s1  }
0x2e: {  	[bflag:$0x3] =	sbarrier.arrive $0xFFFF  }
0x2f: {  	_ =	shalt  }

</sc_bundles>
